<compile_context>
chip_gen: v7x
topology: tpu7x:2x2x1
jax: 0.10.2.dev20260603
libtpu: 0.0.44.dev20260713+nightly
codegen_flags: <defaults>
</compile_context>

<pallas_src>
import functools

import jax
import jax.numpy as jnp
from jax import lax
from jax.experimental import pallas as pl
from jax.experimental.pallas import tpu as pltpu
from jax.experimental.pallas import tpu_sc as plsc

N_NODES = 10000
D = 128
N_IDX = 320000
N_OBJ = 64

NC = 2
NS = 16
NW = NC * NS
L = 16

S_ROWS = 80
TC_GRID = 2

IDX_PER_W = N_IDX // NW
SEG = N_IDX // N_OBJ
SEGS_PER_W = IDX_PER_W // SEG
FULL0 = SEG // L
STRADDLE = FULL0 * L
SEG1_START = STRADDLE + L
FULL1 = (IDX_PER_W - SEG1_START) // L
ACCS = 8


def _tc_matvec_body(ne_ref, wt_ref, o_ref):
    r = lax.dot_general(
        wt_ref[...], ne_ref[...], (((1,), (1,)), ((), ())),
        preferred_element_type=jnp.float32,
    )
    o_ref[...] = r.reshape(S_ROWS // TC_GRID, D)


def _tc_matvec(ne, wt):
    rows_per_step = S_ROWS // TC_GRID * D
    return pl.pallas_call(
        _tc_matvec_body,
        grid=(TC_GRID,),
        in_specs=[
            pl.BlockSpec((rows_per_step, D), lambda a: (a, 0)),
            pl.BlockSpec((1, D), lambda a: (0, 0)),
        ],
        out_specs=pl.BlockSpec((S_ROWS // TC_GRID, D), lambda a: (a, 0)),
        out_shape=jax.ShapeDtypeStruct((S_ROWS, D), jnp.float32),
    )(ne, wt)


def _sc_body(s_hbm, idx_hbm, out_hbm, s_v, idx_v, out_v, stage_sp, buf_v, res_v,
             sem_s, sem_i, sem_i2):
    cid = lax.axis_index("c")
    sid = lax.axis_index("s")
    w = cid * NS + sid

    base = w * IDX_PER_W
    cp_s = pltpu.async_copy(s_hbm, s_v, sem_s)
    cp_i1 = pltpu.async_copy(
        idx_hbm.at[pl.ds(base, SEG1_START)], idx_v.at[pl.ds(0, SEG1_START)], sem_i
    )
    cp_i2 = pltpu.async_copy(
        idx_hbm.at[pl.ds(base + SEG1_START, IDX_PER_W - SEG1_START)],
        idx_v.at[pl.ds(SEG1_START, IDX_PER_W - SEG1_START)],
        sem_i2,
    )
    cp_s.wait()
    cp_i1.wait()

    def chunk(off):
        ids = idx_v[pl.ds(off, L)]
        return plsc.load_gather(
            s_v, [lax.shift_right_logical(ids, 7), lax.bitwise_and(ids, 127)]
        )

    def run(start, nchunks):
        zero = jnp.zeros((L,), jnp.float32)

        @plsc.parallel_loop(0, nchunks, ACCS, unroll=3, carry=(zero,) * ACCS)
        def accs(i, carry):
            return tuple(
                carry[k] + chunk(start + (i + k) * L) for k in range(ACCS)
            )

        total = accs[0]
        for k in range(1, ACCS):
            total = total + accs[k]
        return total

    acc0 = run(0, FULL0)
    vals = chunk(STRADDLE)
    cp_i2.wait()
    acc1 = run(SEG1_START, FULL1)

    lane = lax.iota(jnp.int32, L)
    half = SEG - STRADDLE
    acc0 = acc0 + jnp.where(lane < half, vals, 0.0)
    acc1 = acc1 + jnp.where(lane >= half, vals, 0.0)

    r0 = jnp.sum(acc0)
    r1 = jnp.sum(acc1)
    out_v[...] = jnp.where(lane == 0, r0, jnp.where(lane == 1, r1, 0.0))

    pltpu.sync_copy(out_v, stage_sp.at[pl.ds(w * L, L)])
    plsc.subcore_barrier()

    pltpu.sync_copy(stage_sp.at[pl.ds(cid * NS * L, NS * L)], buf_v)
    flat0 = lax.shift_right_logical(lane, 1) * L + lax.bitwise_and(lane, 1)
    res_v[pl.ds(0, L)] = plsc.load_gather(buf_v, [flat0])
    res_v[pl.ds(L, L)] = plsc.load_gather(buf_v, [flat0 + 8 * L])

    @pl.when(sid == 0)
    def _write_out():
        pltpu.sync_copy(res_v, out_hbm.at[pl.ds(2 * NS * cid, 2 * NS)])


@functools.partial(
    pl.kernel,
    out_type=jax.ShapeDtypeStruct((N_OBJ,), jnp.float32),
    mesh=plsc.VectorSubcoreMesh(
        core_axis_name="c", subcore_axis_name="s", num_cores=NC, num_subcores=NS
    ),
    scratch_types=[
        pltpu.VMEM((S_ROWS, D), jnp.float32),
        pltpu.VMEM((IDX_PER_W,), jnp.int32),
        pltpu.VMEM((L,), jnp.float32),
        pltpu.VMEM_SHARED((NW * L,), jnp.float32),
        pltpu.VMEM((NS * L,), jnp.float32),
        pltpu.VMEM((2 * NS,), jnp.float32),
        pltpu.SemaphoreType.DMA,
        pltpu.SemaphoreType.DMA,
        pltpu.SemaphoreType.DMA,
    ],
    compiler_params=pltpu.CompilerParams(needs_layout_passes=False),
)
def _sc_gather_segsum(s_hbm, idx_hbm, out_hbm, s_v, idx_v, out_v, stage_sp,
                      buf_v, res_v, sem_s, sem_i, sem_i2):
    _sc_body(s_hbm, idx_hbm, out_hbm, s_v, idx_v, out_v, stage_sp, buf_v,
             res_v, sem_s, sem_i, sem_i2)


@jax.jit
def kernel(node_embeddings, object_indices, object_sizes, W, b):
    del object_sizes, b
    s = _tc_matvec(node_embeddings, W.reshape(1, D))
    return _sc_gather_segsum(s, object_indices).reshape(N_OBJ, 1)

# --- scband reference (transcript-rebuilt; emitter-appended) ---
"""Pipeline reference for scband-object-scalar-readout-3212635537902 (READ-ONLY COPY).

The authoritative reference and input builder live on the scoring server;
editing this copy changes nothing except your own understanding.
"""

import jax, jax.numpy as jnp
import numpy as np

N_NODES = 10000
D = 128
N_IDX = 320000
N_OBJ = 64

def setup_inputs(seed: int = 0) -> dict:
    key = jax.random.key(seed)
    k1, k2, k3 = jax.random.split(key, 3)
    node_embeddings = jax.random.normal(k1, (N_NODES, D), dtype=jnp.float32)
    object_indices = jax.random.randint(k2, (N_IDX,), 0, N_NODES, dtype=jnp.int32)
    # uniform segment sizes: 64 objects/graphs, 5000 occurrences each (sum == N_IDX)
    object_sizes = jnp.full((N_OBJ,), N_IDX // N_OBJ, dtype=jnp.int32)
    # SumReadout value head: Linear(embedding_size -> 1)
    W = jax.random.normal(k3, (D, 1), dtype=jnp.float32) * (1.0 / np.sqrt(D))
    b = jnp.zeros((1,), dtype=jnp.float32)
    return {"node_embeddings": node_embeddings, "object_indices": object_indices,
            "object_sizes": object_sizes, "W": W, "b": b}

def reference(node_embeddings, object_indices, object_sizes, W, b):
    # index_select: gather per-object node embeddings
    obj = jnp.take(node_embeddings, object_indices, axis=0)
    num_segments = object_sizes.shape[0]
    # SumReadout: sum embeddings within each object segment (segments defined by sizes)
    seg_ids = jnp.repeat(jnp.arange(num_segments, dtype=jnp.int32), object_sizes,
                         total_repeat_length=obj.shape[0])
    summed = jax.ops.segment_sum(obj, seg_ids, num_segments=num_segments)
    # value head: Linear(D -> 1) producing a scalar per segment
    return summed @ W + b

if __name__ == "__main__":
    import jax
    _d = setup_inputs()
    print(jax.jit(kernel)(*tuple(_d.values())))

</pallas_src>

<mosaic_0001>
#map = affine_map<(d0, d1) -> (0, 0)>
#map1 = affine_map<(d0, d1) -> (0)>
module attributes {stable_mosaic.version = 14 : i64} {
  func.func @_sc_gather_segsum(%arg0: i32, %arg1: i32, %arg2: memref<80x128xf32, #tpu.memory_space<hbm>>, %arg3: memref<320000xi32, #tpu.memory_space<hbm>>, %arg4: memref<64xf32, #tpu.memory_space<hbm>>, %arg5: memref<80x128xf32, #tpu.memory_space<vmem>>, %arg6: memref<10000xi32, #tpu.memory_space<vmem>>, %arg7: memref<16xf32, #tpu.memory_space<vmem>>, %arg8: memref<512xf32, #tpu.memory_space<vmem_shared>>, %arg9: memref<256xf32, #tpu.memory_space<vmem>>, %arg10: memref<32xf32, #tpu.memory_space<vmem>>, %arg11: memref<!tpu.dma_semaphore, #tpu.memory_space<semaphore_mem>>, %arg12: memref<!tpu.dma_semaphore, #tpu.memory_space<semaphore_mem>>, %arg13: memref<!tpu.dma_semaphore, #tpu.memory_space<semaphore_mem>>) attributes {dimension_semantics = [#tpu.dimension_semantics<core_parallel>, #tpu.dimension_semantics<subcore_parallel>], iteration_bounds = array<i64: 2, 16>, scalar_prefetch = 0 : i64, scratch_operands = 9 : i64, tpu.core_type = #tpu.core_type<sc_vector_subcore>, window_params = [{transform_indices = #map}, {transform_indices = #map1}, {transform_indices = #map1}]} {
    %mul3A = arith.constant 16 : i32
    %mul3A_0 = arith.muli %arg0, %mul3A : i32
    %add3A = arith.addi %mul3A_0, %arg1 : i32
    %mul3A_1 = arith.constant 10000 : i32
    %mul3A_2 = arith.muli %add3A, %mul3A_1 : i32
    tpu.enqueue_dma source(%arg2 : memref<80x128xf32, #tpu.memory_space<hbm>>) target(%arg5 : memref<80x128xf32, #tpu.memory_space<vmem>>) target_semaphore(%arg11 : memref<!tpu.dma_semaphore, #tpu.memory_space<semaphore_mem>>)
    %dma_start3A = arith.constant 0 : i32
    %dma_start3A_3 = tpu.memref_slice %arg6[%dma_start3A] : memref<10000xi32, #tpu.memory_space<vmem>> -> memref<5008xi32, #tpu.memory_space<vmem>>
    %dma_start3A_4 = tpu.memref_slice %arg3[%mul3A_2] : memref<320000xi32, #tpu.memory_space<hbm>> -> memref<5008xi32, #tpu.memory_space<hbm>>
    %dma_start3A_5 = arith.constant 0 : i32
    %dma_start3A_6 = tpu.memref_slice %arg6[%dma_start3A_5] : memref<10000xi32, #tpu.memory_space<vmem>> -> memref<5008xi32, #tpu.memory_space<vmem>>
    %dma_start3A_7 = tpu.memref_slice %arg3[%mul3A_2] : memref<320000xi32, #tpu.memory_space<hbm>> -> memref<5008xi32, #tpu.memory_space<hbm>>
    tpu.enqueue_dma source(%dma_start3A_7 : memref<5008xi32, #tpu.memory_space<hbm>>) target(%dma_start3A_6 : memref<5008xi32, #tpu.memory_space<vmem>>) target_semaphore(%arg12 : memref<!tpu.dma_semaphore, #tpu.memory_space<semaphore_mem>>)
    %add3A_8 = arith.constant 5008 : i32
    %add3A_9 = arith.addi %mul3A_2, %add3A_8 : i32
    %dma_start3A_10 = arith.constant 5008 : i32
    %dma_start3A_11 = tpu.memref_slice %arg6[%dma_start3A_10] : memref<10000xi32, #tpu.memory_space<vmem>> -> memref<4992xi32, #tpu.memory_space<vmem>>
    %dma_start3A_12 = tpu.memref_slice %arg3[%add3A_9] : memref<320000xi32, #tpu.memory_space<hbm>> -> memref<4992xi32, #tpu.memory_space<hbm>>
    %dma_start3A_13 = arith.constant 5008 : i32
    %dma_start3A_14 = tpu.memref_slice %arg6[%dma_start3A_13] : memref<10000xi32, #tpu.memory_space<vmem>> -> memref<4992xi32, #tpu.memory_space<vmem>>
    %dma_start3A_15 = tpu.memref_slice %arg3[%add3A_9] : memref<320000xi32, #tpu.memory_space<hbm>> -> memref<4992xi32, #tpu.memory_space<hbm>>
    tpu.enqueue_dma source(%dma_start3A_15 : memref<4992xi32, #tpu.memory_space<hbm>>) target(%dma_start3A_14 : memref<4992xi32, #tpu.memory_space<vmem>>) target_semaphore(%arg13 : memref<!tpu.dma_semaphore, #tpu.memory_space<semaphore_mem>>)
    tpu.wait_dma2 semaphore(%arg11 : memref<!tpu.dma_semaphore, #tpu.memory_space<semaphore_mem>>) src(%arg2 : memref<80x128xf32, #tpu.memory_space<hbm>>) dst(%arg5 : memref<80x128xf32, #tpu.memory_space<vmem>>)
    %dma_wait3A = arith.constant 0 : i32
    %dma_wait3A_16 = tpu.memref_slice %arg6[%dma_wait3A] : memref<10000xi32, #tpu.memory_space<vmem>> -> memref<5008xi32, #tpu.memory_space<vmem>>
    %dma_wait3A_17 = tpu.memref_slice %arg3[%mul3A_2] : memref<320000xi32, #tpu.memory_space<hbm>> -> memref<5008xi32, #tpu.memory_space<hbm>>
    %dma_wait3A_18 = arith.constant 0 : i32
    %dma_wait3A_19 = tpu.memref_slice %arg6[%dma_wait3A_18] : memref<10000xi32, #tpu.memory_space<vmem>> -> memref<5008xi32, #tpu.memory_space<vmem>>
    %dma_wait3A_20 = tpu.memref_slice %arg3[%mul3A_2] : memref<320000xi32, #tpu.memory_space<hbm>> -> memref<5008xi32, #tpu.memory_space<hbm>>
    tpu.wait_dma2 semaphore(%arg12 : memref<!tpu.dma_semaphore, #tpu.memory_space<semaphore_mem>>) src(%dma_wait3A_20 : memref<5008xi32, #tpu.memory_space<hbm>>) dst(%dma_wait3A_19 : memref<5008xi32, #tpu.memory_space<vmem>>)
    %broadcast_in_dim3A = arith.constant 0.000000e+00 : f32
    %broadcast_in_dim3A_21 = vector.broadcast %broadcast_in_dim3A : f32 to vector<16xf32>
    %parallel_loop3A = arith.constant 0 : i32
    %parallel_loop3A_22 = arith.constant 312 : i32
    %parallel_loop3A_23 = arith.constant 8 : i32
    %parallel_loop3A_24:8 = scf.for %parallel_loop3A_113 = %parallel_loop3A to %parallel_loop3A_22 step %parallel_loop3A_23 iter_args(%parallel_loop3A_114 = %broadcast_in_dim3A_21, %parallel_loop3A_115 = %broadcast_in_dim3A_21, %parallel_loop3A_116 = %broadcast_in_dim3A_21, %parallel_loop3A_117 = %broadcast_in_dim3A_21, %parallel_loop3A_118 = %broadcast_in_dim3A_21, %parallel_loop3A_119 = %broadcast_in_dim3A_21, %parallel_loop3A_120 = %broadcast_in_dim3A_21, %parallel_loop3A_121 = %broadcast_in_dim3A_21) -> (vector<16xf32>, vector<16xf32>, vector<16xf32>, vector<16xf32>, vector<16xf32>, vector<16xf32>, vector<16xf32>, vector<16xf32>)  : i32 {
      %parallel_loop3A_122 = arith.constant 0 : i32
      %parallel_loop3A_123 = arith.addi %parallel_loop3A_113, %parallel_loop3A_122 : i32
      %parallel_loop3A_124 = arith.constant 16 : i32
      %parallel_loop3A_125 = arith.muli %parallel_loop3A_123, %parallel_loop3A_124 : i32
      %parallel_loop3A_126 = arith.constant 0 : i32
      %parallel_loop3A_127 = arith.addi %parallel_loop3A_126, %parallel_loop3A_125 : i32
      %parallel_loop3A_128 = arith.index_cast %parallel_loop3A_127 : i32 to index
      %parallel_loop3A_129 = tpu.vector_load %arg6[%parallel_loop3A_128] {strides = array<i32>} : memref<10000xi32, #tpu.memory_space<vmem>>, vector<16xi32>,
      %parallel_loop3A_130 = arith.constant 7 : i32
      %parallel_loop3A_131 = vector.broadcast %parallel_loop3A_130 : i32 to vector<16xi32>
      %parallel_loop3A_132 = arith.shrui %parallel_loop3A_129, %parallel_loop3A_131 : vector<16xi32>
      %parallel_loop3A_133 = arith.constant 127 : i32
      %parallel_loop3A_134 = vector.broadcast %parallel_loop3A_133 : i32 to vector<16xi32>
      %parallel_loop3A_135 = arith.andi %parallel_loop3A_129, %parallel_loop3A_134 : vector<16xi32>
      %parallel_loop3A_136 = tpu.vector_load_idx %arg5[%parallel_loop3A_132, %parallel_loop3A_135] : memref<80x128xf32, #tpu.memory_space<vmem>>[vector<16xi32>, vector<16xi32>], vector<16xf32>,
      %parallel_loop3A_137 = arith.addf %parallel_loop3A_114, %parallel_loop3A_136 : vector<16xf32>
      %parallel_loop3A_138 = arith.constant 1 : i32
      %parallel_loop3A_139 = arith.addi %parallel_loop3A_113, %parallel_loop3A_138 : i32
      %parallel_loop3A_140 = arith.constant 16 : i32
      %parallel_loop3A_141 = arith.muli %parallel_loop3A_139, %parallel_loop3A_140 : i32
      %parallel_loop3A_142 = arith.constant 0 : i32
      %parallel_loop3A_143 = arith.addi %parallel_loop3A_142, %parallel_loop3A_141 : i32
      %parallel_loop3A_144 = arith.index_cast %parallel_loop3A_143 : i32 to index
      %parallel_loop3A_145 = tpu.vector_load %arg6[%parallel_loop3A_144] {strides = array<i32>} : memref<10000xi32, #tpu.memory_space<vmem>>, vector<16xi32>,
      %parallel_loop3A_146 = arith.constant 7 : i32
      %parallel_loop3A_147 = vector.broadcast %parallel_loop3A_146 : i32 to vector<16xi32>
      %parallel_loop3A_148 = arith.shrui %parallel_loop3A_145, %parallel_loop3A_147 : vector<16xi32>
      %parallel_loop3A_149 = arith.constant 127 : i32
      %parallel_loop3A_150 = vector.broadcast %parallel_loop3A_149 : i32 to vector<16xi32>
      %parallel_loop3A_151 = arith.andi %parallel_loop3A_145, %parallel_loop3A_150 : vector<16xi32>
      %parallel_loop3A_152 = tpu.vector_load_idx %arg5[%parallel_loop3A_148, %parallel_loop3A_151] : memref<80x128xf32, #tpu.memory_space<vmem>>[vector<16xi32>, vector<16xi32>], vector<16xf32>,
      %parallel_loop3A_153 = arith.addf %parallel_loop3A_115, %parallel_loop3A_152 : vector<16xf32>
      %parallel_loop3A_154 = arith.constant 2 : i32
      %parallel_loop3A_155 = arith.addi %parallel_loop3A_113, %parallel_loop3A_154 : i32
      %parallel_loop3A_156 = arith.constant 16 : i32
      %parallel_loop3A_157 = arith.muli %parallel_loop3A_155, %parallel_loop3A_156 : i32
      %parallel_loop3A_158 = arith.constant 0 : i32
      %parallel_loop3A_159 = arith.addi %parallel_loop3A_158, %parallel_loop3A_157 : i32
      %parallel_loop3A_160 = arith.index_cast %parallel_loop3A_159 : i32 to index
      %parallel_loop3A_161 = tpu.vector_load %arg6[%parallel_loop3A_160] {strides = array<i32>} : memref<10000xi32, #tpu.memory_space<vmem>>, vector<16xi32>,
      %parallel_loop3A_162 = arith.constant 7 : i32
      %parallel_loop3A_163 = vector.broadcast %parallel_loop3A_162 : i32 to vector<16xi32>
      %parallel_loop3A_164 = arith.shrui %parallel_loop3A_161, %parallel_loop3A_163 : vector<16xi32>
      %parallel_loop3A_165 = arith.constant 127 : i32
      %parallel_loop3A_166 = vector.broadcast %parallel_loop3A_165 : i32 to vector<16xi32>
      %parallel_loop3A_167 = arith.andi %parallel_loop3A_161, %parallel_loop3A_166 : vector<16xi32>
      %parallel_loop3A_168 = tpu.vector_load_idx %arg5[%parallel_loop3A_164, %parallel_loop3A_167] : memref<80x128xf32, #tpu.memory_space<vmem>>[vector<16xi32>, vector<16xi32>], vector<16xf32>,
      %parallel_loop3A_169 = arith.addf %parallel_loop3A_116, %parallel_loop3A_168 : vector<16xf32>
      %parallel_loop3A_170 = arith.constant 3 : i32
      %parallel_loop3A_171 = arith.addi %parallel_loop3A_113, %parallel_loop3A_170 : i32
      %parallel_loop3A_172 = arith.constant 16 : i32
      %parallel_loop3A_173 = arith.muli %parallel_loop3A_171, %parallel_loop3A_172 : i32
      %parallel_loop3A_174 = arith.constant 0 : i32
      %parallel_loop3A_175 = arith.addi %parallel_loop3A_174, %parallel_loop3A_173 : i32
      %parallel_loop3A_176 = arith.index_cast %parallel_loop3A_175 : i32 to index
      %parallel_loop3A_177 = tpu.vector_load %arg6[%parallel_loop3A_176] {strides = array<i32>} : memref<10000xi32, #tpu.memory_space<vmem>>, vector<16xi32>,
      %parallel_loop3A_178 = arith.constant 7 : i32
      %parallel_loop3A_179 = vector.broadcast %parallel_loop3A_178 : i32 to vector<16xi32>
      %parallel_loop3A_180 = arith.shrui %parallel_loop3A_177, %parallel_loop3A_179 : vector<16xi32>
      %parallel_loop3A_181 = arith.constant 127 : i32
      %parallel_loop3A_182 = vector.broadcast %parallel_loop3A_181 : i32 to vector<16xi32>
      %parallel_loop3A_183 = arith.andi %parallel_loop3A_177, %parallel_loop3A_182 : vector<16xi32>
      %parallel_loop3A_184 = tpu.vector_load_idx %arg5[%parallel_loop3A_180, %parallel_loop3A_183] : memref<80x128xf32, #tpu.memory_space<vmem>>[vector<16xi32>, vector<16xi32>], vector<16xf32>,
      %parallel_loop3A_185 = arith.addf %parallel_loop3A_117, %parallel_loop3A_184 : vector<16xf32>
      %parallel_loop3A_186 = arith.constant 4 : i32
      %parallel_loop3A_187 = arith.addi %parallel_loop3A_113, %parallel_loop3A_186 : i32
      %parallel_loop3A_188 = arith.constant 16 : i32
      %parallel_loop3A_189 = arith.muli %parallel_loop3A_187, %parallel_loop3A_188 : i32
      %parallel_loop3A_190 = arith.constant 0 : i32
      %parallel_loop3A_191 = arith.addi %parallel_loop3A_190, %parallel_loop3A_189 : i32
      %parallel_loop3A_192 = arith.index_cast %parallel_loop3A_191 : i32 to index
      %parallel_loop3A_193 = tpu.vector_load %arg6[%parallel_loop3A_192] {strides = array<i32>} : memref<10000xi32, #tpu.memory_space<vmem>>, vector<16xi32>,
      %parallel_loop3A_194 = arith.constant 7 : i32
      %parallel_loop3A_195 = vector.broadcast %parallel_loop3A_194 : i32 to vector<16xi32>
      %parallel_loop3A_196 = arith.shrui %parallel_loop3A_193, %parallel_loop3A_195 : vector<16xi32>
      %parallel_loop3A_197 = arith.constant 127 : i32
      %parallel_loop3A_198 = vector.broadcast %parallel_loop3A_197 : i32 to vector<16xi32>
      %parallel_loop3A_199 = arith.andi %parallel_loop3A_193, %parallel_loop3A_198 : vector<16xi32>
      %parallel_loop3A_200 = tpu.vector_load_idx %arg5[%parallel_loop3A_196, %parallel_loop3A_199] : memref<80x128xf32, #tpu.memory_space<vmem>>[vector<16xi32>, vector<16xi32>], vector<16xf32>,
      %parallel_loop3A_201 = arith.addf %parallel_loop3A_118, %parallel_loop3A_200 : vector<16xf32>
      %parallel_loop3A_202 = arith.constant 5 : i32
      %parallel_loop3A_203 = arith.addi %parallel_loop3A_113, %parallel_loop3A_202 : i32
      %parallel_loop3A_204 = arith.constant 16 : i32
      %parallel_loop3A_205 = arith.muli %parallel_loop3A_203, %parallel_loop3A_204 : i32
      %parallel_loop3A_206 = arith.constant 0 : i32
      %parallel_loop3A_207 = arith.addi %parallel_loop3A_206, %parallel_loop3A_205 : i32
      %parallel_loop3A_208 = arith.index_cast %parallel_loop3A_207 : i32 to index
      %parallel_loop3A_209 = tpu.vector_load %arg6[%parallel_loop3A_208] {strides = array<i32>} : memref<10000xi32, #tpu.memory_space<vmem>>, vector<16xi32>,
      %parallel_loop3A_210 = arith.constant 7 : i32
      %parallel_loop3A_211 = vector.broadcast %parallel_loop3A_210 : i32 to vector<16xi32>
      %parallel_loop3A_212 = arith.shrui %parallel_loop3A_209, %parallel_loop3A_211 : vector<16xi32>
      %parallel_loop3A_213 = arith.constant 127 : i32
      %parallel_loop3A_214 = vector.broadcast %parallel_loop3A_213 : i32 to vector<16xi32>
      %parallel_loop3A_215 = arith.andi %parallel_loop3A_209, %parallel_loop3A_214 : vector<16xi32>
      %parallel_loop3A_216 = tpu.vector_load_idx %arg5[%parallel_loop3A_212, %parallel_loop3A_215] : memref<80x128xf32, #tpu.memory_space<vmem>>[vector<16xi32>, vector<16xi32>], vector<16xf32>,
      %parallel_loop3A_217 = arith.addf %parallel_loop3A_119, %parallel_loop3A_216 : vector<16xf32>
      %parallel_loop3A_218 = arith.constant 6 : i32
      %parallel_loop3A_219 = arith.addi %parallel_loop3A_113, %parallel_loop3A_218 : i32
      %parallel_loop3A_220 = arith.constant 16 : i32
      %parallel_loop3A_221 = arith.muli %parallel_loop3A_219, %parallel_loop3A_220 : i32
      %parallel_loop3A_222 = arith.constant 0 : i32
      %parallel_loop3A_223 = arith.addi %parallel_loop3A_222, %parallel_loop3A_221 : i32
      %parallel_loop3A_224 = arith.index_cast %parallel_loop3A_223 : i32 to index
      %parallel_loop3A_225 = tpu.vector_load %arg6[%parallel_loop3A_224] {strides = array<i32>} : memref<10000xi32, #tpu.memory_space<vmem>>, vector<16xi32>,
      %parallel_loop3A_226 = arith.constant 7 : i32
      %parallel_loop3A_227 = vector.broadcast %parallel_loop3A_226 : i32 to vector<16xi32>
      %parallel_loop3A_228 = arith.shrui %parallel_loop3A_225, %parallel_loop3A_227 : vector<16xi32>
      %parallel_loop3A_229 = arith.constant 127 : i32
      %parallel_loop3A_230 = vector.broadcast %parallel_loop3A_229 : i32 to vector<16xi32>
      %parallel_loop3A_231 = arith.andi %parallel_loop3A_225, %parallel_loop3A_230 : vector<16xi32>
      %parallel_loop3A_232 = tpu.vector_load_idx %arg5[%parallel_loop3A_228, %parallel_loop3A_231] : memref<80x128xf32, #tpu.memory_space<vmem>>[vector<16xi32>, vector<16xi32>], vector<16xf32>,
      %parallel_loop3A_233 = arith.addf %parallel_loop3A_120, %parallel_loop3A_232 : vector<16xf32>
      %parallel_loop3A_234 = arith.constant 7 : i32
      %parallel_loop3A_235 = arith.addi %parallel_loop3A_113, %parallel_loop3A_234 : i32
      %parallel_loop3A_236 = arith.constant 16 : i32
      %parallel_loop3A_237 = arith.muli %parallel_loop3A_235, %parallel_loop3A_236 : i32
      %parallel_loop3A_238 = arith.constant 0 : i32
      %parallel_loop3A_239 = arith.addi %parallel_loop3A_238, %parallel_loop3A_237 : i32
      %parallel_loop3A_240 = arith.index_cast %parallel_loop3A_239 : i32 to index
      %parallel_loop3A_241 = tpu.vector_load %arg6[%parallel_loop3A_240] {strides = array<i32>} : memref<10000xi32, #tpu.memory_space<vmem>>, vector<16xi32>,
      %parallel_loop3A_242 = arith.constant 7 : i32
      %parallel_loop3A_243 = vector.broadcast %parallel_loop3A_242 : i32 to vector<16xi32>
      %parallel_loop3A_244 = arith.shrui %parallel_loop3A_241, %parallel_loop3A_243 : vector<16xi32>
      %parallel_loop3A_245 = arith.constant 127 : i32
      %parallel_loop3A_246 = vector.broadcast %parallel_loop3A_245 : i32 to vector<16xi32>
      %parallel_loop3A_247 = arith.andi %parallel_loop3A_241, %parallel_loop3A_246 : vector<16xi32>
      %parallel_loop3A_248 = tpu.vector_load_idx %arg5[%parallel_loop3A_244, %parallel_loop3A_247] : memref<80x128xf32, #tpu.memory_space<vmem>>[vector<16xi32>, vector<16xi32>], vector<16xf32>,
      %parallel_loop3A_249 = arith.addf %parallel_loop3A_121, %parallel_loop3A_248 : vector<16xf32>
      scf.yield %parallel_loop3A_137, %parallel_loop3A_153, %parallel_loop3A_169, %parallel_loop3A_185, %parallel_loop3A_201, %parallel_loop3A_217, %parallel_loop3A_233, %parallel_loop3A_249 : vector<16xf32>, vector<16xf32>, vector<16xf32>, vector<16xf32>, vector<16xf32>, vector<16xf32>, vector<16xf32>, vector<16xf32>
    } {sc.loop_unroll_factor = 3 : i64, sc.parallel_access}
    %add3A_25 = arith.addf %parallel_loop3A_24#0, %parallel_loop3A_24#1 : vector<16xf32>
    %add3A_26 = arith.addf %add3A_25, %parallel_loop3A_24#2 : vector<16xf32>
    %add3A_27 = arith.addf %add3A_26, %parallel_loop3A_24#3 : vector<16xf32>
    %add3A_28 = arith.addf %add3A_27, %parallel_loop3A_24#4 : vector<16xf32>
    %add3A_29 = arith.addf %add3A_28, %parallel_loop3A_24#5 : vector<16xf32>
    %add3A_30 = arith.addf %add3A_29, %parallel_loop3A_24#6 : vector<16xf32>
    %add3A_31 = arith.addf %add3A_30, %parallel_loop3A_24#7 : vector<16xf32>
    %get3A = arith.constant 4992 : index
    %get3A_32 = tpu.vector_load %arg6[%get3A] {strides = array<i32>} : memref<10000xi32, #tpu.memory_space<vmem>>, vector<16xi32>,
    %shift_right_logical3A = arith.constant 7 : i32
    %shift_right_logical3A_33 = vector.broadcast %shift_right_logical3A : i32 to vector<16xi32>
    %shift_right_logical3A_34 = arith.shrui %get3A_32, %shift_right_logical3A_33 : vector<16xi32>
    %and3A = arith.constant 127 : i32
    %and3A_35 = vector.broadcast %and3A : i32 to vector<16xi32>
    %and3A_36 = arith.andi %get3A_32, %and3A_35 : vector<16xi32>
    %gather3A = tpu.vector_load_idx %arg5[%shift_right_logical3A_34, %and3A_36] : memref<80x128xf32, #tpu.memory_space<vmem>>[vector<16xi32>, vector<16xi32>], vector<16xf32>,
    %dma_wait3A_37 = arith.constant 5008 : i32
    %dma_wait3A_38 = tpu.memref_slice %arg6[%dma_wait3A_37] : memref<10000xi32, #tpu.memory_space<vmem>> -> memref<4992xi32, #tpu.memory_space<vmem>>
    %dma_wait3A_39 = tpu.memref_slice %arg3[%add3A_9] : memref<320000xi32, #tpu.memory_space<hbm>> -> memref<4992xi32, #tpu.memory_space<hbm>>
    %dma_wait3A_40 = arith.constant 5008 : i32
    %dma_wait3A_41 = tpu.memref_slice %arg6[%dma_wait3A_40] : memref<10000xi32, #tpu.memory_space<vmem>> -> memref<4992xi32, #tpu.memory_space<vmem>>
    %dma_wait3A_42 = tpu.memref_slice %arg3[%add3A_9] : memref<320000xi32, #tpu.memory_space<hbm>> -> memref<4992xi32, #tpu.memory_space<hbm>>
    tpu.wait_dma2 semaphore(%arg13 : memref<!tpu.dma_semaphore, #tpu.memory_space<semaphore_mem>>) src(%dma_wait3A_42 : memref<4992xi32, #tpu.memory_space<hbm>>) dst(%dma_wait3A_41 : memref<4992xi32, #tpu.memory_space<vmem>>)
    %broadcast_in_dim3A_43 = arith.constant 0.000000e+00 : f32
    %broadcast_in_dim3A_44 = vector.broadcast %broadcast_in_dim3A_43 : f32 to vector<16xf32>
    %parallel_loop3A_45 = arith.constant 0 : i32
    %parallel_loop3A_46 = arith.constant 312 : i32
    %parallel_loop3A_47 = arith.constant 8 : i32
    %parallel_loop3A_48:8 = scf.for %parallel_loop3A_113 = %parallel_loop3A_45 to %parallel_loop3A_46 step %parallel_loop3A_47 iter_args(%parallel_loop3A_114 = %broadcast_in_dim3A_44, %parallel_loop3A_115 = %broadcast_in_dim3A_44, %parallel_loop3A_116 = %broadcast_in_dim3A_44, %parallel_loop3A_117 = %broadcast_in_dim3A_44, %parallel_loop3A_118 = %broadcast_in_dim3A_44, %parallel_loop3A_119 = %broadcast_in_dim3A_44, %parallel_loop3A_120 = %broadcast_in_dim3A_44, %parallel_loop3A_121 = %broadcast_in_dim3A_44) -> (vector<16xf32>, vector<16xf32>, vector<16xf32>, vector<16xf32>, vector<16xf32>, vector<16xf32>, vector<16xf32>, vector<16xf32>)  : i32 {
      %parallel_loop3A_122 = arith.constant 0 : i32
      %parallel_loop3A_123 = arith.addi %parallel_loop3A_113, %parallel_loop3A_122 : i32
      %parallel_loop3A_124 = arith.constant 16 : i32
      %parallel_loop3A_125 = arith.muli %parallel_loop3A_123, %parallel_loop3A_124 : i32
      %parallel_loop3A_126 = arith.constant 5008 : i32
      %parallel_loop3A_127 = arith.addi %parallel_loop3A_126, %parallel_loop3A_125 : i32
      %parallel_loop3A_128 = arith.index_cast %parallel_loop3A_127 : i32 to index
      %parallel_loop3A_129 = tpu.vector_load %arg6[%parallel_loop3A_128] {strides = array<i32>} : memref<10000xi32, #tpu.memory_space<vmem>>, vector<16xi32>,
      %parallel_loop3A_130 = arith.constant 7 : i32
      %parallel_loop3A_131 = vector.broadcast %parallel_loop3A_130 : i32 to vector<16xi32>
      %parallel_loop3A_132 = arith.shrui %parallel_loop3A_129, %parallel_loop3A_131 : vector<16xi32>
      %parallel_loop3A_133 = arith.constant 127 : i32
      %parallel_loop3A_134 = vector.broadcast %parallel_loop3A_133 : i32 to vector<16xi32>
      %parallel_loop3A_135 = arith.andi %parallel_loop3A_129, %parallel_loop3A_134 : vector<16xi32>
      %parallel_loop3A_136 = tpu.vector_load_idx %arg5[%parallel_loop3A_132, %parallel_loop3A_135] : memref<80x128xf32, #tpu.memory_space<vmem>>[vector<16xi32>, vector<16xi32>], vector<16xf32>,
      %parallel_loop3A_137 = arith.addf %parallel_loop3A_114, %parallel_loop3A_136 : vector<16xf32>
      %parallel_loop3A_138 = arith.constant 1 : i32
      %parallel_loop3A_139 = arith.addi %parallel_loop3A_113, %parallel_loop3A_138 : i32
      %parallel_loop3A_140 = arith.constant 16 : i32
      %parallel_loop3A_141 = arith.muli %parallel_loop3A_139, %parallel_loop3A_140 : i32
      %parallel_loop3A_142 = arith.constant 5008 : i32
      %parallel_loop3A_143 = arith.addi %parallel_loop3A_142, %parallel_loop3A_141 : i32
      %parallel_loop3A_144 = arith.index_cast %parallel_loop3A_143 : i32 to index
      %parallel_loop3A_145 = tpu.vector_load %arg6[%parallel_loop3A_144] {strides = array<i32>} : memref<10000xi32, #tpu.memory_space<vmem>>, vector<16xi32>,
      %parallel_loop3A_146 = arith.constant 7 : i32
      %parallel_loop3A_147 = vector.broadcast %parallel_loop3A_146 : i32 to vector<16xi32>
      %parallel_loop3A_148 = arith.shrui %parallel_loop3A_145, %parallel_loop3A_147 : vector<16xi32>
      %parallel_loop3A_149 = arith.constant 127 : i32
      %parallel_loop3A_150 = vector.broadcast %parallel_loop3A_149 : i32 to vector<16xi32>
      %parallel_loop3A_151 = arith.andi %parallel_loop3A_145, %parallel_loop3A_150 : vector<16xi32>
      %parallel_loop3A_152 = tpu.vector_load_idx %arg5[%parallel_loop3A_148, %parallel_loop3A_151] : memref<80x128xf32, #tpu.memory_space<vmem>>[vector<16xi32>, vector<16xi32>], vector<16xf32>,
      %parallel_loop3A_153 = arith.addf %parallel_loop3A_115, %parallel_loop3A_152 : vector<16xf32>
      %parallel_loop3A_154 = arith.constant 2 : i32
      %parallel_loop3A_155 = arith.addi %parallel_loop3A_113, %parallel_loop3A_154 : i32
      %parallel_loop3A_156 = arith.constant 16 : i32
      %parallel_loop3A_157 = arith.muli %parallel_loop3A_155, %parallel_loop3A_156 : i32
      %parallel_loop3A_158 = arith.constant 5008 : i32
      %parallel_loop3A_159 = arith.addi %parallel_loop3A_158, %parallel_loop3A_157 : i32
      %parallel_loop3A_160 = arith.index_cast %parallel_loop3A_159 : i32 to index
      %parallel_loop3A_161 = tpu.vector_load %arg6[%parallel_loop3A_160] {strides = array<i32>} : memref<10000xi32, #tpu.memory_space<vmem>>, vector<16xi32>,
      %parallel_loop3A_162 = arith.constant 7 : i32
      %parallel_loop3A_163 = vector.broadcast %parallel_loop3A_162 : i32 to vector<16xi32>
      %parallel_loop3A_164 = arith.shrui %parallel_loop3A_161, %parallel_loop3A_163 : vector<16xi32>
      %parallel_loop3A_165 = arith.constant 127 : i32
      %parallel_loop3A_166 = vector.broadcast %parallel_loop3A_165 : i32 to vector<16xi32>
      %parallel_loop3A_167 = arith.andi %parallel_loop3A_161, %parallel_loop3A_166 : vector<16xi32>
      %parallel_loop3A_168 = tpu.vector_load_idx %arg5[%parallel_loop3A_164, %parallel_loop3A_167] : memref<80x128xf32, #tpu.memory_space<vmem>>[vector<16xi32>, vector<16xi32>], vector<16xf32>,
      %parallel_loop3A_169 = arith.addf %parallel_loop3A_116, %parallel_loop3A_168 : vector<16xf32>
      %parallel_loop3A_170 = arith.constant 3 : i32
      %parallel_loop3A_171 = arith.addi %parallel_loop3A_113, %parallel_loop3A_170 : i32
      %parallel_loop3A_172 = arith.constant 16 : i32
      %parallel_loop3A_173 = arith.muli %parallel_loop3A_171, %parallel_loop3A_172 : i32
      %parallel_loop3A_174 = arith.constant 5008 : i32
      %parallel_loop3A_175 = arith.addi %parallel_loop3A_174, %parallel_loop3A_173 : i32
      %parallel_loop3A_176 = arith.index_cast %parallel_loop3A_175 : i32 to index
      %parallel_loop3A_177 = tpu.vector_load %arg6[%parallel_loop3A_176] {strides = array<i32>} : memref<10000xi32, #tpu.memory_space<vmem>>, vector<16xi32>,
      %parallel_loop3A_178 = arith.constant 7 : i32
      %parallel_loop3A_179 = vector.broadcast %parallel_loop3A_178 : i32 to vector<16xi32>
      %parallel_loop3A_180 = arith.shrui %parallel_loop3A_177, %parallel_loop3A_179 : vector<16xi32>
      %parallel_loop3A_181 = arith.constant 127 : i32
      %parallel_loop3A_182 = vector.broadcast %parallel_loop3A_181 : i32 to vector<16xi32>
      %parallel_loop3A_183 = arith.andi %parallel_loop3A_177, %parallel_loop3A_182 : vector<16xi32>
      %parallel_loop3A_184 = tpu.vector_load_idx %arg5[%parallel_loop3A_180, %parallel_loop3A_183] : memref<80x128xf32, #tpu.memory_space<vmem>>[vector<16xi32>, vector<16xi32>], vector<16xf32>,
      %parallel_loop3A_185 = arith.addf %parallel_loop3A_117, %parallel_loop3A_184 : vector<16xf32>
      %parallel_loop3A_186 = arith.constant 4 : i32
      %parallel_loop3A_187 = arith.addi %parallel_loop3A_113, %parallel_loop3A_186 : i32
      %parallel_loop3A_188 = arith.constant 16 : i32
      %parallel_loop3A_189 = arith.muli %parallel_loop3A_187, %parallel_loop3A_188 : i32
      %parallel_loop3A_190 = arith.constant 5008 : i32
      %parallel_loop3A_191 = arith.addi %parallel_loop3A_190, %parallel_loop3A_189 : i32
      %parallel_loop3A_192 = arith.index_cast %parallel_loop3A_191 : i32 to index
      %parallel_loop3A_193 = tpu.vector_load %arg6[%parallel_loop3A_192] {strides = array<i32>} : memref<10000xi32, #tpu.memory_space<vmem>>, vector<16xi32>,
      %parallel_loop3A_194 = arith.constant 7 : i32
      %parallel_loop3A_195 = vector.broadcast %parallel_loop3A_194 : i32 to vector<16xi32>
      %parallel_loop3A_196 = arith.shrui %parallel_loop3A_193, %parallel_loop3A_195 : vector<16xi32>
      %parallel_loop3A_197 = arith.constant 127 : i32
      %parallel_loop3A_198 = vector.broadcast %parallel_loop3A_197 : i32 to vector<16xi32>
      %parallel_loop3A_199 = arith.andi %parallel_loop3A_193, %parallel_loop3A_198 : vector<16xi32>
      %parallel_loop3A_200 = tpu.vector_load_idx %arg5[%parallel_loop3A_196, %parallel_loop3A_199] : memref<80x128xf32, #tpu.memory_space<vmem>>[vector<16xi32>, vector<16xi32>], vector<16xf32>,
      %parallel_loop3A_201 = arith.addf %parallel_loop3A_118, %parallel_loop3A_200 : vector<16xf32>
      %parallel_loop3A_202 = arith.constant 5 : i32
      %parallel_loop3A_203 = arith.addi %parallel_loop3A_113, %parallel_loop3A_202 : i32
      %parallel_loop3A_204 = arith.constant 16 : i32
      %parallel_loop3A_205 = arith.muli %parallel_loop3A_203, %parallel_loop3A_204 : i32
      %parallel_loop3A_206 = arith.constant 5008 : i32
      %parallel_loop3A_207 = arith.addi %parallel_loop3A_206, %parallel_loop3A_205 : i32
      %parallel_loop3A_208 = arith.index_cast %parallel_loop3A_207 : i32 to index
      %parallel_loop3A_209 = tpu.vector_load %arg6[%parallel_loop3A_208] {strides = array<i32>} : memref<10000xi32, #tpu.memory_space<vmem>>, vector<16xi32>,
      %parallel_loop3A_210 = arith.constant 7 : i32
      %parallel_loop3A_211 = vector.broadcast %parallel_loop3A_210 : i32 to vector<16xi32>
      %parallel_loop3A_212 = arith.shrui %parallel_loop3A_209, %parallel_loop3A_211 : vector<16xi32>
      %parallel_loop3A_213 = arith.constant 127 : i32
      %parallel_loop3A_214 = vector.broadcast %parallel_loop3A_213 : i32 to vector<16xi32>
      %parallel_loop3A_215 = arith.andi %parallel_loop3A_209, %parallel_loop3A_214 : vector<16xi32>
      %parallel_loop3A_216 = tpu.vector_load_idx %arg5[%parallel_loop3A_212, %parallel_loop3A_215] : memref<80x128xf32, #tpu.memory_space<vmem>>[vector<16xi32>, vector<16xi32>], vector<16xf32>,
      %parallel_loop3A_217 = arith.addf %parallel_loop3A_119, %parallel_loop3A_216 : vector<16xf32>
      %parallel_loop3A_218 = arith.constant 6 : i32
      %parallel_loop3A_219 = arith.addi %parallel_loop3A_113, %parallel_loop3A_218 : i32
      %parallel_loop3A_220 = arith.constant 16 : i32
      %parallel_loop3A_221 = arith.muli %parallel_loop3A_219, %parallel_loop3A_220 : i32
      %parallel_loop3A_222 = arith.constant 5008 : i32
      %parallel_loop3A_223 = arith.addi %parallel_loop3A_222, %parallel_loop3A_221 : i32
      %parallel_loop3A_224 = arith.index_cast %parallel_loop3A_223 : i32 to index
      %parallel_loop3A_225 = tpu.vector_load %arg6[%parallel_loop3A_224] {strides = array<i32>} : memref<10000xi32, #tpu.memory_space<vmem>>, vector<16xi32>,
      %parallel_loop3A_226 = arith.constant 7 : i32
      %parallel_loop3A_227 = vector.broadcast %parallel_loop3A_226 : i32 to vector<16xi32>
      %parallel_loop3A_228 = arith.shrui %parallel_loop3A_225, %parallel_loop3A_227 : vector<16xi32>
      %parallel_loop3A_229 = arith.constant 127 : i32
      %parallel_loop3A_230 = vector.broadcast %parallel_loop3A_229 : i32 to vector<16xi32>
      %parallel_loop3A_231 = arith.andi %parallel_loop3A_225, %parallel_loop3A_230 : vector<16xi32>
      %parallel_loop3A_232 = tpu.vector_load_idx %arg5[%parallel_loop3A_228, %parallel_loop3A_231] : memref<80x128xf32, #tpu.memory_space<vmem>>[vector<16xi32>, vector<16xi32>], vector<16xf32>,
      %parallel_loop3A_233 = arith.addf %parallel_loop3A_120, %parallel_loop3A_232 : vector<16xf32>
      %parallel_loop3A_234 = arith.constant 7 : i32
      %parallel_loop3A_235 = arith.addi %parallel_loop3A_113, %parallel_loop3A_234 : i32
      %parallel_loop3A_236 = arith.constant 16 : i32
      %parallel_loop3A_237 = arith.muli %parallel_loop3A_235, %parallel_loop3A_236 : i32
      %parallel_loop3A_238 = arith.constant 5008 : i32
      %parallel_loop3A_239 = arith.addi %parallel_loop3A_238, %parallel_loop3A_237 : i32
      %parallel_loop3A_240 = arith.index_cast %parallel_loop3A_239 : i32 to index
      %parallel_loop3A_241 = tpu.vector_load %arg6[%parallel_loop3A_240] {strides = array<i32>} : memref<10000xi32, #tpu.memory_space<vmem>>, vector<16xi32>,
      %parallel_loop3A_242 = arith.constant 7 : i32
      %parallel_loop3A_243 = vector.broadcast %parallel_loop3A_242 : i32 to vector<16xi32>
      %parallel_loop3A_244 = arith.shrui %parallel_loop3A_241, %parallel_loop3A_243 : vector<16xi32>
      %parallel_loop3A_245 = arith.constant 127 : i32
      %parallel_loop3A_246 = vector.broadcast %parallel_loop3A_245 : i32 to vector<16xi32>
      %parallel_loop3A_247 = arith.andi %parallel_loop3A_241, %parallel_loop3A_246 : vector<16xi32>
      %parallel_loop3A_248 = tpu.vector_load_idx %arg5[%parallel_loop3A_244, %parallel_loop3A_247] : memref<80x128xf32, #tpu.memory_space<vmem>>[vector<16xi32>, vector<16xi32>], vector<16xf32>,
      %parallel_loop3A_249 = arith.addf %parallel_loop3A_121, %parallel_loop3A_248 : vector<16xf32>
      scf.yield %parallel_loop3A_137, %parallel_loop3A_153, %parallel_loop3A_169, %parallel_loop3A_185, %parallel_loop3A_201, %parallel_loop3A_217, %parallel_loop3A_233, %parallel_loop3A_249 : vector<16xf32>, vector<16xf32>, vector<16xf32>, vector<16xf32>, vector<16xf32>, vector<16xf32>, vector<16xf32>, vector<16xf32>
    } {sc.loop_unroll_factor = 3 : i64, sc.parallel_access}
    %add3A_49 = arith.addf %parallel_loop3A_48#0, %parallel_loop3A_48#1 : vector<16xf32>
    %add3A_50 = arith.addf %add3A_49, %parallel_loop3A_48#2 : vector<16xf32>
    %add3A_51 = arith.addf %add3A_50, %parallel_loop3A_48#3 : vector<16xf32>
    %add3A_52 = arith.addf %add3A_51, %parallel_loop3A_48#4 : vector<16xf32>
    %add3A_53 = arith.addf %add3A_52, %parallel_loop3A_48#5 : vector<16xf32>
    %add3A_54 = arith.addf %add3A_53, %parallel_loop3A_48#6 : vector<16xf32>
    %add3A_55 = arith.addf %add3A_54, %parallel_loop3A_48#7 : vector<16xf32>
    %iota3A = tpu.iota {dimensions = array<i32: 0>} : vector<16xi32>
    %lt3A = arith.constant 8 : i32
    %lt3A_56 = vector.broadcast %lt3A : i32 to vector<16xi32>
    %lt3A_57 = arith.cmpi slt, %iota3A, %lt3A_56 : vector<16xi32>
    %jit3A = arith.constant 0.000000e+00 : f32
    %broadcast_in_dim3A_58 = vector.broadcast %jit3A : f32 to vector<16xf32>
    %select_n3A = arith.select %lt3A_57, %gather3A, %broadcast_in_dim3A_58 : vector<16xi1>, vector<16xf32>
    %add3A_59 = arith.addf %add3A_31, %select_n3A : vector<16xf32>
    %ge3A = arith.constant 8 : i32
    %ge3A_60 = vector.broadcast %ge3A : i32 to vector<16xi32>
    %ge3A_61 = arith.cmpi sge, %iota3A, %ge3A_60 : vector<16xi32>
    %jit3A_62 = arith.constant 0.000000e+00 : f32
    %broadcast_in_dim3A_63 = vector.broadcast %jit3A_62 : f32 to vector<16xf32>
    %select_n3A_64 = arith.select %ge3A_61, %gather3A, %broadcast_in_dim3A_63 : vector<16xi1>, vector<16xf32>
    %add3A_65 = arith.addf %add3A_55, %select_n3A_64 : vector<16xf32>
    %reduce_sum3A = arith.constant true
    %reduce_sum3A_66 = vector.broadcast %reduce_sum3A : i1 to vector<16xi1>
    %reduce_sum3A_67 = tpu.scan <sum>, %add3A_59 masked %reduce_sum3A_66 : vector<16xf32>, vector<16xi1> -> vector<16xf32>
    %reduce_sum3A_68 = vector.extract %reduce_sum3A_67[15] : f32 from vector<16xf32>
    %reduce_sum3A_69 = arith.constant true
    %reduce_sum3A_70 = vector.broadcast %reduce_sum3A_69 : i1 to vector<16xi1>
    %reduce_sum3A_71 = tpu.scan <sum>, %add3A_65 masked %reduce_sum3A_70 : vector<16xf32>, vector<16xi1> -> vector<16xf32>
    %reduce_sum3A_72 = vector.extract %reduce_sum3A_71[15] : f32 from vector<16xf32>
    %eq3A = arith.constant 0 : i32
    %eq3A_73 = vector.broadcast %eq3A : i32 to vector<16xi32>
    %eq3A_74 = arith.cmpi eq, %iota3A, %eq3A_73 : vector<16xi32>
    %eq3A_75 = arith.constant 1 : i32
    %eq3A_76 = vector.broadcast %eq3A_75 : i32 to vector<16xi32>
    %eq3A_77 = arith.cmpi eq, %iota3A, %eq3A_76 : vector<16xi32>
    %jit3A_78 = arith.constant 0.000000e+00 : f32
    %broadcast_in_dim3A_79 = vector.broadcast %reduce_sum3A_72 : f32 to vector<16xf32>
    %broadcast_in_dim3A_80 = vector.broadcast %jit3A_78 : f32 to vector<16xf32>
    %select_n3A_81 = arith.select %eq3A_77, %broadcast_in_dim3A_79, %broadcast_in_dim3A_80 : vector<16xi1>, vector<16xf32>
    %broadcast_in_dim3A_82 = vector.broadcast %reduce_sum3A_68 : f32 to vector<16xf32>
    %select_n3A_83 = arith.select %eq3A_74, %broadcast_in_dim3A_82, %select_n3A_81 : vector<16xi1>, vector<16xf32>
    %swap3A = arith.constant 0 : index
    %swap3A_84 = tpu.vector_load %arg7[%swap3A] {strides = array<i32>} : memref<16xf32, #tpu.memory_space<vmem>>, vector<16xf32>,
    tpu.vector_store %arg7[%swap3A], %select_n3A_83 {strides = array<i32>} : memref<16xf32, #tpu.memory_space<vmem>>, vector<16xf32>,
    %mul3A_85 = arith.constant 16 : i32
    %mul3A_86 = arith.muli %add3A, %mul3A_85 : i32
    "tpu.region"() ({
      %run_scoped3A = tpu.sem_alloc : memref<!tpu.dma_semaphore, #tpu.memory_space<semaphore_mem>>
      %dma_start3A_113 = tpu.memref_slice %arg8[%mul3A_86] : memref<512xf32, #tpu.memory_space<vmem_shared>> -> memref<16xf32, #tpu.memory_space<vmem_shared>>
      %dma_start3A_114 = tpu.memref_slice %arg8[%mul3A_86] : memref<512xf32, #tpu.memory_space<vmem_shared>> -> memref<16xf32, #tpu.memory_space<vmem_shared>>
      tpu.enqueue_dma source(%arg7 : memref<16xf32, #tpu.memory_space<vmem>>) target(%dma_start3A_114 : memref<16xf32, #tpu.memory_space<vmem_shared>>) target_semaphore(%run_scoped3A : memref<!tpu.dma_semaphore, #tpu.memory_space<semaphore_mem>>)
      %dma_wait3A_115 = tpu.memref_slice %arg8[%mul3A_86] : memref<512xf32, #tpu.memory_space<vmem_shared>> -> memref<16xf32, #tpu.memory_space<vmem_shared>>
      %dma_wait3A_116 = tpu.memref_slice %arg8[%mul3A_86] : memref<512xf32, #tpu.memory_space<vmem_shared>> -> memref<16xf32, #tpu.memory_space<vmem_shared>>
      tpu.wait_dma2 semaphore(%run_scoped3A : memref<!tpu.dma_semaphore, #tpu.memory_space<semaphore_mem>>) src(%arg7 : memref<16xf32, #tpu.memory_space<vmem>>) dst(%dma_wait3A_116 : memref<16xf32, #tpu.memory_space<vmem_shared>>)
      tpu.yield
    }) : () -> ()
    %barrier3A = arith.constant 0 : index
    tpu.barrier barrier_id(%barrier3A)
    %mul3A_87 = arith.constant 16 : i32
    %mul3A_88 = arith.muli %arg0, %mul3A_87 : i32
    %mul3A_89 = arith.constant 16 : i32
    %mul3A_90 = arith.muli %mul3A_88, %mul3A_89 : i32
    "tpu.region"() ({
      %run_scoped3A = tpu.sem_alloc : memref<!tpu.dma_semaphore, #tpu.memory_space<semaphore_mem>>
      %dma_start3A_113 = tpu.memref_slice %arg8[%mul3A_90] : memref<512xf32, #tpu.memory_space<vmem_shared>> -> memref<256xf32, #tpu.memory_space<vmem_shared>>
      %dma_start3A_114 = tpu.memref_slice %arg8[%mul3A_90] : memref<512xf32, #tpu.memory_space<vmem_shared>> -> memref<256xf32, #tpu.memory_space<vmem_shared>>
      tpu.enqueue_dma source(%dma_start3A_114 : memref<256xf32, #tpu.memory_space<vmem_shared>>) target(%arg9 : memref<256xf32, #tpu.memory_space<vmem>>) target_semaphore(%run_scoped3A : memref<!tpu.dma_semaphore, #tpu.memory_space<semaphore_mem>>)
      %dma_wait3A_115 = tpu.memref_slice %arg8[%mul3A_90] : memref<512xf32, #tpu.memory_space<vmem_shared>> -> memref<256xf32, #tpu.memory_space<vmem_shared>>
      %dma_wait3A_116 = tpu.memref_slice %arg8[%mul3A_90] : memref<512xf32, #tpu.memory_space<vmem_shared>> -> memref<256xf32, #tpu.memory_space<vmem_shared>>
      tpu.wait_dma2 semaphore(%run_scoped3A : memref<!tpu.dma_semaphore, #tpu.memory_space<semaphore_mem>>) src(%dma_wait3A_116 : memref<256xf32, #tpu.memory_space<vmem_shared>>) dst(%arg9 : memref<256xf32, #tpu.memory_space<vmem>>)
      tpu.yield
    }) : () -> ()
    %shift_right_logical3A_91 = arith.constant 1 : i32
    %shift_right_logical3A_92 = vector.broadcast %shift_right_logical3A_91 : i32 to vector<16xi32>
    %shift_right_logical3A_93 = arith.shrui %iota3A, %shift_right_logical3A_92 : vector<16xi32>
    %mul3A_94 = arith.constant 16 : i32
    %mul3A_95 = vector.broadcast %mul3A_94 : i32 to vector<16xi32>
    %mul3A_96 = arith.muli %shift_right_logical3A_93, %mul3A_95 : vector<16xi32>
    %and3A_97 = arith.constant 1 : i32
    %and3A_98 = vector.broadcast %and3A_97 : i32 to vector<16xi32>
    %and3A_99 = arith.andi %iota3A, %and3A_98 : vector<16xi32>
    %add3A_100 = arith.addi %mul3A_96, %and3A_99 : vector<16xi32>
    %gather3A_101 = tpu.vector_load_idx %arg9[%add3A_100] : memref<256xf32, #tpu.memory_space<vmem>>[vector<16xi32>], vector<16xf32>,
    %swap3A_102 = arith.constant 0 : index
    %swap3A_103 = tpu.vector_load %arg10[%swap3A_102] {strides = array<i32>} : memref<32xf32, #tpu.memory_space<vmem>>, vector<16xf32>,
    tpu.vector_store %arg10[%swap3A_102], %gather3A_101 {strides = array<i32>} : memref<32xf32, #tpu.memory_space<vmem>>, vector<16xf32>,
    %add3A_104 = arith.constant 128 : i32
    %add3A_105 = vector.broadcast %add3A_104 : i32 to vector<16xi32>
    %add3A_106 = arith.addi %add3A_100, %add3A_105 : vector<16xi32>
    %gather3A_107 = tpu.vector_load_idx %arg9[%add3A_106] : memref<256xf32, #tpu.memory_space<vmem>>[vector<16xi32>], vector<16xf32>,
    %swap3A_108 = arith.constant 16 : index
    %swap3A_109 = tpu.vector_load %arg10[%swap3A_108] {strides = array<i32>} : memref<32xf32, #tpu.memory_space<vmem>>, vector<16xf32>,
    tpu.vector_store %arg10[%swap3A_108], %gather3A_107 {strides = array<i32>} : memref<32xf32, #tpu.memory_space<vmem>>, vector<16xf32>,
    %eq3A_110 = arith.constant 0 : i32
    %eq3A_111 = arith.cmpi eq, %arg1, %eq3A_110 : i32
    %convert_element_type3A = arith.extui %eq3A_111 : i1 to i32
    %cond3A = arith.constant 0 : i32
    %cond3A_112 = arith.cmpi ne, %convert_element_type3A, %cond3A : i32
    scf.if %cond3A_112 {
      %mul3A_113 = arith.constant 32 : i32
      %mul3A_114 = arith.muli %mul3A_113, %arg0 : i32
      "tpu.region"() ({
        %run_scoped3A = tpu.sem_alloc : memref<!tpu.dma_semaphore, #tpu.memory_space<semaphore_mem>>
        %dma_start3A_115 = tpu.memref_slice %arg4[%mul3A_114] : memref<64xf32, #tpu.memory_space<hbm>> -> memref<32xf32, #tpu.memory_space<hbm>>
        %dma_start3A_116 = tpu.memref_slice %arg4[%mul3A_114] : memref<64xf32, #tpu.memory_space<hbm>> -> memref<32xf32, #tpu.memory_space<hbm>>
        tpu.enqueue_dma source(%arg10 : memref<32xf32, #tpu.memory_space<vmem>>) target(%dma_start3A_116 : memref<32xf32, #tpu.memory_space<hbm>>) target_semaphore(%run_scoped3A : memref<!tpu.dma_semaphore, #tpu.memory_space<semaphore_mem>>)
        %dma_wait3A_117 = tpu.memref_slice %arg4[%mul3A_114] : memref<64xf32, #tpu.memory_space<hbm>> -> memref<32xf32, #tpu.memory_space<hbm>>
        %dma_wait3A_118 = tpu.memref_slice %arg4[%mul3A_114] : memref<64xf32, #tpu.memory_space<hbm>> -> memref<32xf32, #tpu.memory_space<hbm>>
        tpu.wait_dma2 semaphore(%run_scoped3A : memref<!tpu.dma_semaphore, #tpu.memory_space<semaphore_mem>>) src(%arg10 : memref<32xf32, #tpu.memory_space<vmem>>) dst(%dma_wait3A_118 : memref<32xf32, #tpu.memory_space<hbm>>)
        tpu.yield
      }) : () -> ()
    } else {
    }
    return
  }
}

module attributes {stable_mosaic.version = 14 : i64} {
  func.func @_tc_matvec_body(%arg0: i32, %arg1: memref<5120x128xf32, #tpu.memory_space<vmem>>, %arg2: memref<1x128xf32, #tpu.memory_space<vmem>>, %arg3: memref<40x128xf32, #tpu.memory_space<vmem>>) attributes {dimension_semantics = [#tpu.dimension_semantics<arbitrary>], iteration_bounds = array<i64: 2>, scalar_prefetch = 0 : i64, scratch_operands = 0 : i64, tpu.core_type = #tpu.core_type<tc>, window_params = [{transform_indices = @transform_0, window_bounds = array<i64: 5120, 128>}, {pipeline_mode = #tpu.pipeline_mode<synchronous>, transform_indices = @transform_1, window_bounds = array<i64: 1, 128>}, {transform_indices = @transform_2, window_bounds = array<i64: 40, 128>}]} {
    %get3A = arith.constant 0 : index
    %get3A_0 = arith.constant 0 : index
    %get3A_1 = vector.load %arg2[%get3A, %get3A_0] : memref<1x128xf32, #tpu.memory_space<vmem>>, vector<1x128xf32>
    %get3A_2 = arith.constant 0 : index
    %get3A_3 = arith.constant 0 : index
    %get3A_4 = vector.load %arg1[%get3A_2, %get3A_3] : memref<5120x128xf32, #tpu.memory_space<vmem>>, vector<5120x128xf32>
    %dot_general3A = arith.constant dense<0.000000e+00> : vector<1x5120xf32>
    %dot_general3A_5 = tpu.matmul %get3A_1, %get3A_4, %dot_general3A {dimension_numbers = #tpu.dot_dimension_numbers<[1], [1], [0], [0], [0, 0, 1, 0], [], []>, transpose_lhs_hint = false} : vector<1x128xf32>, vector<5120x128xf32>, vector<1x5120xf32> -> vector<1x5120xf32>
    %reshape3A = vector.shape_cast %dot_general3A_5 : vector<1x5120xf32> to vector<40x128xf32>
    %swap3A = arith.constant 0 : index
    %swap3A_6 = arith.constant 0 : index
    %swap3A_7 = vector.load %arg3[%swap3A, %swap3A_6] : memref<40x128xf32, #tpu.memory_space<vmem>>, vector<40x128xf32>
    tpu.vector_store %arg3[%swap3A, %swap3A_6], %reshape3A {strides = array<i32>} : memref<40x128xf32, #tpu.memory_space<vmem>>, vector<40x128xf32>,
    return
  }
  func.func @transform_0(%arg0: i32) -> (i32, i32) {
    %c0_i32 = arith.constant 0 : i32
    %c0_i32_0 = arith.constant 0 : i32
    return %arg0, %c0_i32 : i32, i32
  }
  func.func @transform_1(%arg0: i32) -> (i32, i32) {
    %c0_i32 = arith.constant 0 : i32
    %c0_i32_0 = arith.constant 0 : i32
    %c0_i32_1 = arith.constant 0 : i32
    return %c0_i32, %c0_i32_0 : i32, i32
  }
  func.func @transform_2(%arg0: i32) -> (i32, i32) {
    %c0_i32 = arith.constant 0 : i32
    %c0_i32_0 = arith.constant 0 : i32
    return %arg0, %c0_i32 : i32, i32
  }
}

</mosaic_0001>

<sc_bundles>
// kernel: kernel.4.cloned.1.call-start
scs
__scs_entry_jumppad:
0x0: {  	(pc) =	sbr.rel $0x88, $3  }
0x1: {  	(tag) =	ssettag $0x0;
	lr =	simm.s32 $0x1  }
0x2: {  	[smem:$0x3F9E] =	sst lr;
	_ =	strace $0xD0000000  }
0x3: {  	_ = 	snop  }
0x4: {  	_ = 	snop  }
0x5: {  	_ = 	snop  }
0x6: {  	_ = 	snop  }
0x7: {  	_ = 	snop  }
__scs_overlays_trampoline_lowered:
0x8: {  	[smem:$0x3FAD] =	sst s0  }
0x9: {  	[smem:$0x3FAE] =	sst s1  }
0xa: {  	[smem:$0x3FAF] =	sst s2  }
0xb: {  	[smem:$0x3FB0] =	sst s3  }
0xc: {  	[smem:$0x3FB1] =	sst s4  }
0xd: {  	[smem:$0x3FB2] =	sst s5  }
0xe: {  	[smem:$0x3FB3] =	sst s6  }
0xf: {  	[smem:$0x3FB4] =	sst s7  }
0x10: {  	[smem:$0x3FB5] =	sst s8  }
0x11: {  	[smem:$0x3FB6] =	sst s9;
	s0 =	simm.s32 @!p0 $0x0  }
0x12: {  	s1 =	sld [smem:$0x3F9C];
	s0 =	simm.s32 @p0 $0x1  }
0x13: {  	[smem:$0x3FB7] =	sst s0;
	s0 =	simm.s32 @!p1 $0x0  }
0x14: {  	s2 =	sld [smem:$0x3F9B];
	s0 =	simm.s32 @p1 $0x1  }
0x15: {  	[smem:$0x3FB8] =	sst s0;
	s0 =	simm.s32 @!p2 $0x0  }
0x16: {  	s3 =	sld [smem:$0x3FDB];
	s0 =	simm.s32 @p2 $0x1  }
0x17: {  	s4 =	simm.s32 $0x1BF5;
	[smem:$0x3FBA] =	sst s0  }
0x18: {  	s0 =	sld [smem:$0x3F9D];
	_ =	swait.ge [sflag:s4], $0x0  }
0x19: {  	s7 =	sld [smem:$0x3F9E]  }
0x1a: {  	s8 =	sadd.s32 $0xFFFFE003, lr  }
0x1b: {  	s9 =	sadd.s32 $0xFFFFFEF7, lr;
	s5 =	simm.s32 $0xFFFFFFFF;
	p2 =	slt.u32 s8, $0xFFFFF086  }
0x1c: {  	p1 =	slt.u32 s9, $0xF7A;
	s5 =	simm.s32 @!p2 $0x0  }
0x1d: {  	s5 =	simm.s32 @p1 $0x1;
	p0 =	seq.s32 s7, s2  }
0x1e: {  	s7 =	smul.u32 @!p0 $0xF7A, s2;
	p2 =	seq.s32 @!p0 s5, $0x0  }
0x1f: {  	s9 =	smul.u32 $0xF7A, s1;
	s8 =	simm.s32 @!p0 $0x1BF5;
	p2 =	por !p2, p0  }
0x20: {  	[sflag:s8] =	ssyncset.s32 @!p0 $0xFFFFF086;
	s6 =	sadd.s32 @!p0 s3, s7;
	s7 =	simm.s32 @!p0 $0x108  }
0x21: {  	s3 =	sadd.s32 s3, s9;
	s6 =	sadd.s32 @!p0 $0x88, s6;
	s7 =	simm.s32 @p2 $0x1082  }
0x22: {  	[simem:s7], [sflag:s8] =	dma.local @!p0 [hbm:s6], $0xF7A  }
0x23: {  	s9 =	sor.u32 $0xD0000000, s2;
	s6 =	simm.s32 $0x108;
	_ =	swait.ge @!p0 [sflag:s8], $0x0  }
0x24: {  	s3 =	sadd.s32 $0x88, s3;
	s6 =	simm.s32 @!p1 $0x1082;
	[sflag:s4] =	ssyncset.s32 $0xFFFFF086  }
0x25: {  	[simem:s6], [sflag:s4] =	dma.local [hbm:s3], $0xF7A  }
0x26: {  	[smem:$0x3F9E] =	sst s1;
	(tag) =	ssettag s2;
	_ =	strace s9  }
0x27: {  	s1 =	sld [smem:$0x3FAE]  }
0x28: {  	s2 =	sld [smem:$0x3FAF]  }
0x29: {  	s4 =	sld [smem:$0x3FB1]  }
0x2a: {  	p0 =	seq.s32 s5, $0x0;
	s5 =	sld [smem:$0x3FB2]  }
0x2b: {  	s6 =	sld [smem:$0x3FB3]  }
0x2c: {  	s7 =	sld [smem:$0x3FB4]  }
0x2d: {  	s3 =	simm.s32 $0x108;
	s8 =	sld [smem:$0x3FB5]  }
0x2e: {  	s3 =	simm.s32 @!p0 $0x1082;
	s9 =	sld [smem:$0x3FB6]  }
0x2f: {  	lr =	sadd.s32 s0, s3;
	s0 =	sld [smem:$0x3FAD]  }
0x30: {  	s3 =	sld [smem:$0x3FB0]  }
0x31: {  	[smem:$0x3FB9] =	sst s10  }
0x32: {  	s10 =	sld [smem:$0x3FB7];
	_ =	sdelay $0x3  }
0x33: {  	p0 =	seq.s32 s10, $0x1;
	s10 =	sld [smem:$0x3FB9];
	_ =	sdelay $0x3  }
0x34: {  	[smem:$0x3FB9] =	sst s10  }
0x35: {  	s10 =	sld [smem:$0x3FB8];
	_ =	sdelay $0x3  }
0x36: {  	p1 =	seq.s32 s10, $0x1;
	s10 =	sld [smem:$0x3FB9];
	_ =	sdelay $0x3  }
0x37: {  	[smem:$0x3FB9] =	sst s10  }
0x38: {  	s10 =	sld [smem:$0x3FBA]  }
0x39: {  	_ = 	snop;
	(pc) =	sbr.ind lr, $3  }
0x3a: {  	_ = 	snop  }
0x3b: {  	_ = 	snop  }
0x3c: {  	p2 =	seq.s32 s10, $0x1;
	s10 =	sld [smem:$0x3FB9]  }
0x3d: {  	_ =	shalt  }
0x3e: {  	_ =	shalt  }
0x3f: {  	_ =	shalt  }
0x40: {  	_ =	shalt  }
0x41: {  	_ =	shalt  }
0x42: {  	_ =	shalt  }
0x43: {  	_ =	shalt  }
0x44: {  	_ =	shalt  }
0x45: {  	_ =	shalt  }
0x46: {  	_ =	shalt  }
0x47: {  	_ =	shalt  }
0x48: {  	_ =	shalt  }
0x49: {  	_ =	shalt  }
0x4a: {  	_ =	shalt  }
0x4b: {  	_ =	shalt  }
0x4c: {  	_ =	shalt  }
0x4d: {  	_ =	shalt  }
0x4e: {  	_ =	shalt  }
0x4f: {  	_ =	shalt  }
0x50: {  	_ =	shalt  }
0x51: {  	_ =	shalt  }
0x52: {  	_ =	shalt  }
0x53: {  	_ =	shalt  }
0x54: {  	_ =	shalt  }
0x55: {  	_ =	shalt  }
0x56: {  	_ =	shalt  }
0x57: {  	_ =	shalt  }
0x58: {  	_ =	shalt  }
0x59: {  	_ =	shalt  }
0x5a: {  	_ =	shalt  }
0x5b: {  	_ =	shalt  }
0x5c: {  	_ =	shalt  }
0x5d: {  	_ =	shalt  }
0x5e: {  	_ =	shalt  }
0x5f: {  	_ =	shalt  }
0x60: {  	_ =	shalt  }
0x61: {  	_ =	shalt  }
0x62: {  	_ =	shalt  }
0x63: {  	_ =	shalt  }
0x64: {  	_ =	shalt  }
0x65: {  	_ =	shalt  }
0x66: {  	_ =	shalt  }
0x67: {  	_ =	shalt  }
0x68: {  	_ =	shalt  }
0x69: {  	_ =	shalt  }
0x6a: {  	_ =	shalt  }
0x6b: {  	_ =	shalt  }
0x6c: {  	_ =	shalt  }
0x6d: {  	_ =	shalt  }
0x6e: {  	_ =	shalt  }
0x6f: {  	_ =	shalt  }
0x70: {  	_ =	shalt  }
0x71: {  	_ =	shalt  }
0x72: {  	_ =	shalt  }
0x73: {  	_ =	shalt  }
0x74: {  	_ =	shalt  }
0x75: {  	_ =	shalt  }
0x76: {  	_ =	shalt  }
0x77: {  	_ =	shalt  }
0x78: {  	_ =	shalt  }
0x79: {  	_ =	shalt  }
0x7a: {  	_ =	shalt  }
0x7b: {  	_ =	shalt  }
0x7c: {  	_ =	shalt  }
0x7d: {  	_ =	shalt  }
0x7e: {  	_ =	shalt  }
0x7f: {  	_ =	shalt  }
0x80: {  	_ =	shalt  }
0x81: {  	_ =	shalt  }
0x82: {  	_ =	shalt  }
0x83: {  	_ =	shalt  }
0x84: {  	_ =	shalt  }
0x85: {  	_ =	shalt  }
0x86: {  	_ =	shalt  }
0x87: {  	_ =	shalt  }
.Lfunc_end0:
.L_simem_size_0:
called_computation_lowered:
.L_overlay_start_0:
0x88: {  	s2 =	sld [smem:$0x3FD9]  }
0x89: {  	s3 =	sld [smem:$0x3FFE];
	_ =	sdelay $0x1  }
0x8a: {  	s1 =	srdreg.scid  }
0x8b: {  	s0 =	sand.u32 $0x1, s1  }
0x8c: {  	s17 =	sshll.u32 s0, $0xA;
	s2 =	sadd.s32 s3, s2  }
0x8d: {  	s2 =	sadd.s32 s2, s17  }
0x8e: {  	[smem:$0x3FC5] =	sst s2  }
0x8f: {  	_ = 	snop  }
0x90: {  	s2 =	sld [smem:$0x3FC8]  }
0x91: {  	s18 =	sld [smem:$0x3FD0];
	(tm) =	ssettm $0x1  }
0x92: {  	s4 =	sld [smem:$0x3FFB];
	_ =	sdelay $0x3  }
0x93: {  	_ =	strace s4  }
0x94: {  	s4 =	sld [smem:$0x3FFC];
	_ =	sdelay $0x3  }
0x95: {  	_ =	strace s4  }
0x96: {  	s4 =	sld [smem:$0x3FFD];
	_ =	sdelay $0x3  }
0x97: {  	_ =	strace s4  }
0x98: {  	_ =	strace $0x8FFFFFFF  }
0x99: {  	s19 =	sld [smem:$0x3FDB];
	_ =	sdelay $0x1  }
0x9a: {  	s5 =	simm.s32 $_scs_section_size  }
0x9b: {  	s6 =	simm.s32 $_size__tile_overlayer_lowered;
	s7 =	simm.s32 $_tile_overlayer_lowered  }
0x9c: {  	s22 =	simm.s32 $0x1BFF;
	s21 =	sshll.u32 s7, $0x1;
	s4 =	sadd.s32 s5, s19  }
0x9d: {  	s8 =	simm.s32 $0x0;
	s20 =	sshll.u32 s6, $0x1;
	s6 =	sadd.s32 s21, s4  }
0x9e: {  	[timem:s8], [sflag:s22] =	dma.local [hbm:s6], s20  }
0x9f: {  	_ =	swait.ge [sflag:s22], s20  }
0xa0: {  	s5 =	ssub.s32 $0x0, s20;
	[sflag:s22] =	ssyncset.done $0x0  }
0xa1: {  	[sflag:s22] =	ssyncadd.s32 s5;
	_ =	sdelay $0x1  }
0xa2: {  	s23 =	simm.s32 $0x1B8B  }
0xa3: {  	_ =	swait.ge [sflag:s23], $0x1  }
0xa4: {  	[sflag:s23] =	ssyncset.done $0x0  }
0xa5: {  	s25 =	simm.s32 $0x1B8E;
	s24 =	sld [smem:$0x3FFE];
	[sflag:s23] =	ssyncadd.s32 $0xFFFFFFFF  }
0xa6: {  	s26 =	simm.s32 $execute0_lowered;
	[smem:$0x3FD2] =	sst s25  }
0xa7: {  	s6 =	sshll.u32 s26, $0x1;
	_ =	strace $0x80000046;
	[dreg:$0x1] =	wrdreg $0xFFFFFFFF  }
0xa8: {  	s28 =	simm.s32 $_size_execute0_lowered;
	s4 =	sadd.s32 s4, s6;
	[dreg:$0x0] =	wrdreg $0x0  }
0xa9: {  	s6 =	sshll.u32 s28, $0x1;
	[dreg:$0x2] =	wrdreg s4  }
0xaa: {  	[dreg:$0x3] =	wrdreg s6  }
0xab: {  	[dreg:$0x4] =	wrdreg $0xC0  }
0xac: {  	_ =	task [dreg:s8], $0x5FFFF  }
0xad: {  	[dreg:$0x1] =	wrdreg $0xFFFFFFFF  }
0xae: {  	[dreg:$0x0] =	wrdreg $0x60  }
0xaf: {  	[dreg:$0x2] =	wrdreg s24  }
0xb0: {  	[dreg:$0x3] =	wrdreg s2  }
0xb1: {  	[dreg:$0x4] =	wrdreg s18  }
0xb2: {  	[dreg:$0x5] =	wrdreg $0x50000  }
0xb3: {  	[dreg:$0x6] =	wrdreg $0x9  }
0xb4: {  	_ =	task.clear_ibuf [dreg:s8], $0x7FFFF;
	_ =	strace $0x90000046  }
0xb5: {  	s29 =	simm.s32 $0x9;
	_ =	strace $0x80000048  }
0xb6: {  	_ =	swait.ge [sflag:s29], $0x1  }
0xb7: {  	[sflag:s29] =	ssyncadd.s32 $0xFFFFFFFF  }
0xb8: {  	_ =	strace $0x90000048  }
0xb9: {  	_ =	sfence  }
0xba: {  	s30 =	sld [smem:$0x0];
	_ =	sdelay $0x2  }
0xbb: {  	s31 =	sshll.u32 s1, $0xD;
	s1 =	sshrl.u32 s1, $0x2  }
0xbc: {  	s3 =	sand.u32 $0x4000, s31;
	s1 =	sadd.s32 s1, s30  }
0xbd: {  	s0 =	sor.u32 s3, s0;
	s1 =	sshll.u32 s1, $0x11  }
0xbe: {  	s0 =	sor.u32 s1, s0  }
0xbf: {  	s0 =	sadd.s32 $0x8F2B, s0  }
0xc0: {  	[sflag:s0] =	ssyncadd.remote.s32 $0x1  }
0xc1: {  	_ =	sfence.sel $0xFFFF  }
0xc2: {  	[dreg:$0x0] =	wrdreg $0xFFFFFFFF;
	(pc) =	sbr.abs _section_cstart, $3  }
0xc3: {  	[dreg:$0x1] =	wrdreg $0xFFFFFFFF  }
0xc4: {  	_ =	task.clear_ibuf [dreg:s8], $0x2FFFF;
	_ =	strace $0x9FFFFFFF  }
0xc5: {  	(tm) =	ssettm $0x7FFFFFFF  }
tec
execute0_lowered:
.L_overlay_start_1:
0x0: {  	(tag) =	ssettag $0x1  }
0x1: {  	s2 =	rddreg [dreg:$0x0]  }
0x2: {  	s0 =	srdreg.scid;
	s3 =	rddreg [dreg:$0x1]  }
0x3: {  	s8 =	rddreg [dreg:$0x2];
	s14 =	stileid.u32  }
0x4: {  	s6 =	rddreg [dreg:$0x3];
	s1 =	simm.s32 $0x0;
	s11 =	simm.s32 $0x1  }
0x5: {  	v0 =	vimm.s32 $0x51504140;
	v1 =	vimm.s32 $0x71706160;
	v2 =	vimm.s32 $0xD1D0C1C0;
	s12 =	simm.s32 $0x2;
	s13 =	simm.s32 $0x3;
	s15 =	simm.s32 $0x4  }
0x6: {  	v3 =	vimm.s32 $0xF1F0E1E0;
	v4 =	vimm.s32 $0x91908180;
	s16 =	simm.s32 $0x5020;
	s17 =	simm.s32 $0x0;
	s7 =	sand.u32 $0x1, s0  }
0x7: {  	v5 =	vimm.s32 $0xB1B0A1A0;
	vm2 =	vcmask $0x1F10;
	[smem:$0x7FF] =	sst s1;
	s2 =	sadd.s32 $0xA00, s2;
	p0 =	sne.s32 s14, $0x0  }
0x8: {  	v6 =	vimm.s32 $0x11100100;
	v2 =	vunpack.c.0.s8.s32 v2;
	v3 =	vunpack.c.0.s8.s32 v3;
	s0 =	sshll.u32 s7, $0x4;
	s9 =	ssub.s32 $0x2, s7;
	s31 =	sshll.u32 s7, $0x8  }
0x9: {  	v0 =	vunpack.c.0.s8.s32 v0;
	v4 =	vunpack.c.0.s8.s32 v4;
	v5 =	vunpack.c.0.s8.s32 v5;
	s7 =	sshll.u32 s7, $0x2;
	s5 =	sor.u32 s14, s0;
	s0 =	rddreg [dreg:$0x4]  }
0xa: {  	v1 =	vunpack.c.0.s8.s32 v1;
	_ =	strace $0x80000047;
	s10 =	sshrl.u32 s9, $0x1;
	v2 =	vsel vm2, v3, v2;
	v3 =	vimm.s32 $0x31302120;
	s4 =	smul.u32 $0x2710, s5  }
0xb: {  	v63 =	vunpack.c.0.s8.s32 v6;
	v4 =	vsel vm2, v5, v4;
	s7 =	sadd.s32 s8, s7;
	s14 =	simm.s32 $0x4F80;
	s9 =	ssub.s32 s9, s10;
	v3 =	vunpack.c.0.s8.s32 v3  }
0xc: {  	v0 =	vsel vm2, v1, v0;
	s5 =	sshll.u32 s5, $0x4;
	v1 =	vcombine.low v4, v2;
	s10 =	simm.s32 $0x3B90;
	s4 =	sshrl.u32 s4, $0x3  }
0xd: {  	vm0 =	vmmov $0xff;
	vm1 =	vcmask $0x704;
	s5 =	sadd.s32 s5, s6;
	s6 =	sadd.s32 s31, s6;
	v2 =	vsel vm2, v3, v63;
	s3 =	sadd.s32 s3, s4  }
0xe: {  	s8 =	smax.u32 s9, $0x1;
	s9 =	simm.s32 $0x2800;
	vm2 =	vcmask $0x3F04;
	v1 =	vand.u32 $0xFF, v1;
	v0 =	vcombine.low v2, v0;
	s4 =	sadd.s32 $0x272, s3  }
.LBB2_1:
0xf: {  	[tilespmem:s1], [sflag:$0x1] =	stream.linear.gather [hbm4b:s2+s1], $0x2800, $0x38;
	[tilespmem:$0x51A0] =	vst v63  }
0x10: {  	_ = 	snop  }
0x11: {  	[tilespmem:s9], [sflag:$0x2] =	stream.linear.gather [hbm4b:s3+s1], $0x1390, $0x38;
	[tilespmem:$0x51A0] =	vst v63  }
0x12: {  	_ = 	snop  }
0x13: {  	[tilespmem:s10], [sflag:$0x3] =	stream.linear.gather [hbm4b:s4+s1], $0x1380, $0x38;
	[tilespmem:$0x51A0] =	vst v63  }
0x14: {  	_ =	swait.ge [sflag:s11], $0x2800  }
0x15: {  	[sflag:s11] =	ssyncset.done $0x0  }
0x16: {  	[sflag:s11] =	ssyncadd.s32 $0xFFFFD800  }
0x17: {  	_ =	swait.ge [sflag:s12], $0x1390  }
0x18: {  	[sflag:s12] =	ssyncset.done $0x0  }
0x19: {  	s18 =	simm.s32 $0x28C0;
	[sflag:s12] =	ssyncadd.s32 $0xFFFFEC70  }
0x1a: {  	v2 =	vld [tilespmem:s18+$0x40]  }
0x1b: {  	v3 =	vld [tilespmem:s18+$0x50]  }
0x1c: {  	v4 =	vld [tilespmem:s18+$0x60]  }
0x1d: {  	v5 =	vld [tilespmem:s18+$0x70]  }
0x1e: {  	v6 =	vld [tilespmem:s18+$0x80]  }
0x1f: {  	v7 =	vld [tilespmem:s18+$0x90]  }
0x20: {  	v10 =	vld [tilespmem:s18+$0xA0]  }
0x21: {  	v11 =	vld [tilespmem:s18+$0xB0]  }
0x22: {  	v12 =	vld [tilespmem:s18+$0xFFFFFFC0]  }
0x23: {  	v13 =	vld [tilespmem:s18+$0xFFFFFFD0]  }
0x24: {  	v14 =	vld [tilespmem:s18+$0xFFFFFFE0]  }
0x25: {  	v15 =	vld [tilespmem:s18+$0xFFFFFFF0]  }
0x26: {  	v16 =	vld [tilespmem:s18+$0x0]  }
0x27: {  	v17 =	vld [tilespmem:s18+$0x10]  }
0x28: {  	v20 =	vld [tilespmem:s18+$0x20]  }
0x29: {  	v21 =	vld [tilespmem:s18+$0x30]  }
0x2a: {  	v18 =	vld [tilespmem:s18+$0xFFFFFF40]  }
0x2b: {  	v19 =	vld [tilespmem:s18+$0xFFFFFF50]  }
0x2c: {  	v22 =	vld [tilespmem:s18+$0xFFFFFF60]  }
0x2d: {  	v23 =	vld [tilespmem:s18+$0xFFFFFF70]  }
0x2e: {  	v24 =	vld [tilespmem:s18+$0xFFFFFF80]  }
0x2f: {  	v25 =	vld [tilespmem:s18+$0xFFFFFF90]  }
0x30: {  	v26 =	vld [tilespmem:s18+$0xFFFFFFA0]  }
0x31: {  	v27 =	vld [tilespmem:s18+$0xFFFFFFB0]  }
0x32: {  	v2 =	vld.idx.msk [tilespmem:v2+s1+$0x0], $0xffff  }
0x33: {  	v3 =	vld.idx.msk [tilespmem:v3+s1+$0x0], $0xffff  }
0x34: {  	v28 =	vld.idx.msk [tilespmem:v4+s1+$0x0], $0xffff  }
0x35: {  	v29 =	vld.idx.msk [tilespmem:v5+s1+$0x0], $0xffff  }
0x36: {  	v8 =	vld.idx.msk [tilespmem:v6+s1+$0x0], $0xffff  }
0x37: {  	v9 =	vld.idx.msk [tilespmem:v7+s1+$0x0], $0xffff  }
0x38: {  	v4 =	vld.idx.msk [tilespmem:v12+s1+$0x0], $0xffff  }
0x39: {  	v5 =	vld.idx.msk [tilespmem:v13+s1+$0x0], $0xffff  }
0x3a: {  	v6 =	vld.idx.msk [tilespmem:v14+s1+$0x0], $0xffff  }
0x3b: {  	v12 =	vld.idx.msk [tilespmem:v15+s1+$0x0], $0xffff  }
0x3c: {  	v13 =	vld.idx.msk [tilespmem:v18+s1+$0x0], $0xffff  }
0x3d: {  	v14 =	vld.idx.msk [tilespmem:v19+s1+$0x0], $0xffff  }
0x3e: {  	v22 =	vld.idx.msk [tilespmem:v22+s1+$0x0], $0xffff  }
0x3f: {  	v23 =	vld.idx.msk [tilespmem:v23+s1+$0x0], $0xffff  }
0x40: {  	v15 =	vld.idx.msk [tilespmem:v16+s1+$0x0], $0xffff  }
0x41: {  	v16 =	vld.idx.msk [tilespmem:v17+s1+$0x0], $0xffff  }
0x42: {  	v17 =	vld.idx.msk [tilespmem:v24+s1+$0x0], $0xffff  }
0x43: {  	v7 =	vimm.f32 $0.0e+00;
	v18 =	vld.idx.msk [tilespmem:v25+s1+$0x0], $0xffff  }
0x44: {  	v19 =	vld.idx.msk [tilespmem:v26+s1+$0x0], $0xffff;
	v13 =	vadd.f32 v13, v7  }
0x45: {  	v20 =	vld.idx.msk [tilespmem:v20+s1+$0x0], $0xffff;
	v14 =	vadd.f32 v14, v7;
	v23 =	vadd.f32 v23, v7  }
0x46: {  	v24 =	vadd.f32 v22, v7;
	v22 =	vld.idx.msk [tilespmem:v27+s1+$0x0], $0xffff;
	v4 =	vadd.f32 v4, v13  }
0x47: {  	v5 =	vadd.f32 v5, v14;
	v12 =	vadd.f32 v12, v23;
	v23 =	vld.idx.msk [tilespmem:v21+s1+$0x0], $0xffff  }
0x48: {  	v6 =	vadd.f32 v6, v24;
	v21 =	vld.idx.msk [tilespmem:v10+s1+$0x0], $0xffff;
	v10 =	vimm.f32 $0.0e+00  }
0x49: {  	v24 =	vld.idx.msk [tilespmem:v11+s1+$0x0], $0xffff;
	v11 =	vimm.f32 $0.0e+00;
	v4 =	vadd.f32 v2, v4;
	v5 =	vadd.f32 v3, v5  }
0x4a: {  	s19 =	simm.s32 $0x2A40;
	s18 =	simm.s32 $0x0;
	v3 =	vadd.f32 v28, v6;
	v2 =	vadd.f32 v29, v12;
	v12 =	vimm.f32 $0.0e+00  }
.LBB2_2:
0x4b: {  	v6 =	vld [tilespmem:s19+$0x40];
	v7 =	vadd.f32 v17, v7;
	v12 =	vadd.f32 v18, v12  }
0x4c: {  	v10 =	vadd.f32 v19, v10;
	v11 =	vadd.f32 v22, v11;
	v13 =	vld [tilespmem:s19+$0x50]  }
0x4d: {  	v14 =	vld [tilespmem:s19+$0x60];
	v7 =	vadd.f32 v15, v7;
	v12 =	vadd.f32 v16, v12  }
0x4e: {  	v10 =	vadd.f32 v20, v10;
	v11 =	vadd.f32 v23, v11;
	v15 =	vld [tilespmem:s19+$0x70]  }
0x4f: {  	v16 =	vld [tilespmem:s19+$0x80];
	v7 =	vadd.f32 v8, v7;
	v12 =	vadd.f32 v9, v12  }
0x50: {  	v10 =	vadd.f32 v21, v10;
	v11 =	vadd.f32 v24, v11;
	v9 =	vld [tilespmem:s19+$0x90]  }
0x51: {  	v21 =	vld [tilespmem:s19+$0xA0]  }
0x52: {  	v24 =	vld [tilespmem:s19+$0xB0]  }
0x53: {  	v17 =	vld [tilespmem:s19+$0xFFFFFFC0]  }
0x54: {  	v18 =	vld [tilespmem:s19+$0xFFFFFFD0]  }
0x55: {  	v19 =	vld [tilespmem:s19+$0xFFFFFFE0]  }
0x56: {  	v20 =	vld [tilespmem:s19+$0xFFFFFFF0]  }
0x57: {  	v22 =	vld [tilespmem:s19+$0x0]  }
0x58: {  	v23 =	vld [tilespmem:s19+$0x10]  }
0x59: {  	v25 =	vld [tilespmem:s19+$0x20]  }
0x5a: {  	v26 =	vld [tilespmem:s19+$0x30]  }
0x5b: {  	v27 =	vld [tilespmem:s19+$0xFFFFFF40]  }
0x5c: {  	v28 =	vld [tilespmem:s19+$0xFFFFFF50]  }
0x5d: {  	v29 =	vld [tilespmem:s19+$0xFFFFFF60]  }
0x5e: {  	v30 =	vld [tilespmem:s19+$0xFFFFFF70]  }
0x5f: {  	v31 =	vld [tilespmem:s19+$0xFFFFFF80]  }
0x60: {  	v32 =	vld [tilespmem:s19+$0xFFFFFF90]  }
0x61: {  	v33 =	vld [tilespmem:s19+$0xFFFFFFA0]  }
0x62: {  	v34 =	vld [tilespmem:s19+$0xFFFFFFB0]  }
0x63: {  	v6 =	vld.idx.msk [tilespmem:v6+s1+$0x0], $0xffff  }
0x64: {  	v13 =	vld.idx.msk [tilespmem:v13+s1+$0x0], $0xffff  }
0x65: {  	v14 =	vld.idx.msk [tilespmem:v14+s1+$0x0], $0xffff  }
0x66: {  	v35 =	vld.idx.msk [tilespmem:v15+s1+$0x0], $0xffff  }
0x67: {  	v8 =	vld.idx.msk [tilespmem:v16+s1+$0x0], $0xffff  }
0x68: {  	v9 =	vld.idx.msk [tilespmem:v9+s1+$0x0], $0xffff  }
0x69: {  	v36 =	vld.idx.msk [tilespmem:v17+s1+$0x0], $0xffff  }
0x6a: {  	v37 =	vld.idx.msk [tilespmem:v18+s1+$0x0], $0xffff  }
0x6b: {  	v38 =	vld.idx.msk [tilespmem:v19+s1+$0x0], $0xffff  }
0x6c: {  	v39 =	vld.idx.msk [tilespmem:v20+s1+$0x0], $0xffff  }
0x6d: {  	v19 =	vld.idx.msk [tilespmem:v27+s1+$0x0], $0xffff  }
0x6e: {  	s18 =	sadd.s32 $0x18, s18;
	v20 =	vld.idx.msk [tilespmem:v28+s1+$0x0], $0xffff  }
0x6f: {  	p1 =	slt.u32 s18, $0x120;
	v27 =	vld.idx.msk [tilespmem:v29+s1+$0x0], $0xffff  }
0x70: {  	v28 =	vld.idx.msk [tilespmem:v30+s1+$0x0], $0xffff  }
0x71: {  	v15 =	vld.idx.msk [tilespmem:v22+s1+$0x0], $0xffff  }
0x72: {  	v16 =	vld.idx.msk [tilespmem:v23+s1+$0x0], $0xffff  }
0x73: {  	v17 =	vld.idx.msk [tilespmem:v31+s1+$0x0], $0xffff  }
0x74: {  	v18 =	vld.idx.msk [tilespmem:v32+s1+$0x0], $0xffff  }
0x75: {  	v4 =	vadd.f32 v19, v4;
	v5 =	vadd.f32 v20, v5;
	v19 =	vld.idx.msk [tilespmem:v33+s1+$0x0], $0xffff  }
.Ltmp0:
0x76: {  	v3 =	vadd.f32 v27, v3;
	v2 =	vadd.f32 v28, v2;
	v22 =	vld.idx.msk [tilespmem:v34+s1+$0x0], $0xffff;
	(pc) =	sbr.rel @p1 .LBB2_2-.Ltmp0, $4  }
0x77: {  	v4 =	vadd.f32 v36, v4;
	v5 =	vadd.f32 v37, v5;
	v20 =	vld.idx.msk [tilespmem:v25+s1+$0x0], $0xffff  }
0x78: {  	v3 =	vadd.f32 v38, v3;
	v2 =	vadd.f32 v39, v2;
	v23 =	vld.idx.msk [tilespmem:v26+s1+$0x0], $0xffff  }
0x79: {  	v4 =	vadd.f32 v6, v4;
	v5 =	vadd.f32 v13, v5;
	v21 =	vld.idx.msk [tilespmem:v21+s1+$0x0], $0xffff  }
0x7a: {  	s19 =	sadd.s32 $0x180, s19;
	v3 =	vadd.f32 v14, v3;
	v2 =	vadd.f32 v35, v2;
	v24 =	vld.idx.msk [tilespmem:v24+s1+$0x0], $0xffff  }
0x7b: {  	v6 =	vld [tilespmem:$0x3B80];
	_ =	sdelay $0x7  }
0x7c: {  	v6 =	vld.idx.msk [tilespmem:v6+s1+$0x0], $0xffff;
	_ =	swait.ge [sflag:s13], $0x1380  }
0x7d: {  	[sflag:s13] =	ssyncset.done $0x0  }
0x7e: {  	s18 =	simm.s32 $0x3D00;
	[sflag:s13] =	ssyncadd.s32 $0xFFFFEC80  }
0x7f: {  	v13 =	vld [tilespmem:s18+$0xFFFFFF90]  }
0x80: {  	v14 =	vld [tilespmem:s18+$0xFFFFFFA0]  }
0x81: {  	v25 =	vld [tilespmem:s18+$0xFFFFFFB0]  }
0x82: {  	v26 =	vld [tilespmem:s18+$0xFFFFFFC0]  }
0x83: {  	v27 =	vld [tilespmem:s18+$0xFFFFFFD0]  }
0x84: {  	v28 =	vld [tilespmem:s18+$0xFFFFFFE0]  }
0x85: {  	v29 =	vld [tilespmem:s18+$0xFFFFFFF0]  }
0x86: {  	v31 =	vld [tilespmem:s18+$0x0]  }
0x87: {  	v30 =	vld [tilespmem:s18+$0xFFFFFF10]  }
0x88: {  	v32 =	vld [tilespmem:s18+$0xFFFFFF20]  }
0x89: {  	v33 =	vld [tilespmem:s18+$0xFFFFFF30]  }
0x8a: {  	v34 =	vld [tilespmem:s18+$0xFFFFFF40]  }
0x8b: {  	v35 =	vld [tilespmem:s18+$0xFFFFFF50]  }
0x8c: {  	v36 =	vld [tilespmem:s18+$0xFFFFFF60]  }
0x8d: {  	v37 =	vld [tilespmem:s18+$0xFFFFFF70]  }
0x8e: {  	v38 =	vld [tilespmem:s18+$0xFFFFFF80]  }
0x8f: {  	v39 =	vld [tilespmem:s18+$0xFFFFFE90]  }
0x90: {  	v40 =	vld [tilespmem:s18+$0xFFFFFEA0]  }
0x91: {  	v41 =	vld [tilespmem:s18+$0xFFFFFEB0]  }
0x92: {  	v42 =	vld [tilespmem:s18+$0xFFFFFEC0]  }
0x93: {  	v43 =	vld [tilespmem:s18+$0xFFFFFED0]  }
0x94: {  	v44 =	vld [tilespmem:s18+$0xFFFFFEE0]  }
0x95: {  	v45 =	vld [tilespmem:s18+$0xFFFFFEF0]  }
0x96: {  	v46 =	vld [tilespmem:s18+$0xFFFFFF00]  }
0x97: {  	v47 =	vld.idx.msk [tilespmem:v13+s1+$0x0], $0xffff  }
0x98: {  	v48 =	vld.idx.msk [tilespmem:v14+s1+$0x0], $0xffff  }
0x99: {  	v49 =	vld.idx.msk [tilespmem:v25+s1+$0x0], $0xffff  }
0x9a: {  	v50 =	vld.idx.msk [tilespmem:v26+s1+$0x0], $0xffff  }
0x9b: {  	v14 =	vld.idx.msk [tilespmem:v27+s1+$0x0], $0xffff  }
0x9c: {  	v13 =	vld.idx.msk [tilespmem:v28+s1+$0x0], $0xffff  }
0x9d: {  	v27 =	vld.idx.msk [tilespmem:v30+s1+$0x0], $0xffff  }
0x9e: {  	v32 =	vld.idx.msk [tilespmem:v32+s1+$0x0], $0xffff  }
0x9f: {  	v33 =	vld.idx.msk [tilespmem:v33+s1+$0x0], $0xffff  }
0xa0: {  	v34 =	vld.idx.msk [tilespmem:v34+s1+$0x0], $0xffff  }
0xa1: {  	v28 =	vld.idx.msk [tilespmem:v39+s1+$0x0], $0xffff  }
0xa2: {  	v7 =	vadd.f32 v17, v7;
	v12 =	vadd.f32 v18, v12;
	v17 =	vld.idx.msk [tilespmem:v40+s1+$0x0], $0xffff  }
0xa3: {  	v10 =	vadd.f32 v19, v10;
	v11 =	vadd.f32 v22, v11;
	v18 =	vld.idx.msk [tilespmem:v41+s1+$0x0], $0xffff  }
0xa4: {  	v7 =	vadd.f32 v15, v7;
	v12 =	vadd.f32 v16, v12;
	v15 =	vld.idx.msk [tilespmem:v42+s1+$0x0], $0xffff  }
0xa5: {  	v16 =	vadd.f32 v20, v10;
	v11 =	vadd.f32 v23, v11;
	v22 =	vld.idx.msk [tilespmem:v35+s1+$0x0], $0xffff  }
0xa6: {  	v10 =	vadd.f32 v8, v7;
	v9 =	vadd.f32 v9, v12;
	v23 =	vld.idx.msk [tilespmem:v36+s1+$0x0], $0xffff  }
0xa7: {  	v8 =	vadd.f32 v21, v16;
	v7 =	vadd.f32 v24, v11;
	v11 =	vimm.f32 $0.0e+00;
	v25 =	vld.idx.msk [tilespmem:v43+s1+$0x0], $0xffff  }
0xa8: {  	v26 =	vld.idx.msk [tilespmem:v44+s1+$0x0], $0xffff;
	v12 =	vadd.f32 v28, v11;
	v16 =	vadd.f32 v17, v11  }
0xa9: {  	v30 =	vld.idx.msk [tilespmem:v46+s1+$0x0], $0xffff;
	v17 =	vadd.f32 v18, v11;
	v15 =	vadd.f32 v15, v11  }
0xaa: {  	v21 =	vld.idx.msk [tilespmem:v37+s1+$0x0], $0xffff;
	v12 =	vadd.f32 v27, v12;
	v18 =	vadd.f32 v32, v16  }
0xab: {  	v28 =	vld.idx.msk [tilespmem:v45+s1+$0x0], $0xffff;
	v19 =	vadd.f32 v33, v17;
	v20 =	vadd.f32 v34, v15  }
0xac: {  	v24 =	vld.idx.msk [tilespmem:v29+s1+$0x0], $0xffff;
	v16 =	vadd.f32 v47, v12;
	v17 =	vadd.f32 v48, v18  }
0xad: {  	v27 =	vld.idx.msk [tilespmem:v38+s1+$0x0], $0xffff;
	v15 =	vadd.f32 v49, v19;
	v12 =	vadd.f32 v50, v20  }
0xae: {  	s19 =	simm.s32 $0x3E80;
	s18 =	simm.s32 $0x0;
	v29 =	vld.idx.msk [tilespmem:v31+s1+$0x0], $0xffff;
	v20 =	vimm.f32 $0.0e+00;
	v19 =	vimm.f32 $0.0e+00;
	v18 =	vimm.f32 $0.0e+00  }
.LBB2_4:
0xaf: {  	v31 =	vld [tilespmem:s19+$0xFFFFFF90];
	v11 =	vadd.f32 v25, v11;
	v20 =	vadd.f32 v26, v20  }
0xb0: {  	v19 =	vadd.f32 v28, v19;
	v18 =	vadd.f32 v30, v18;
	v25 =	vld [tilespmem:s19+$0xFFFFFFA0]  }
0xb1: {  	v26 =	vld [tilespmem:s19+$0xFFFFFFB0];
	v11 =	vadd.f32 v22, v11;
	v20 =	vadd.f32 v23, v20  }
0xb2: {  	v19 =	vadd.f32 v21, v19;
	v18 =	vadd.f32 v27, v18;
	v22 =	vld [tilespmem:s19+$0xFFFFFFC0]  }
0xb3: {  	v21 =	vld [tilespmem:s19+$0xFFFFFFD0];
	v11 =	vadd.f32 v14, v11;
	v20 =	vadd.f32 v13, v20  }
0xb4: {  	v19 =	vadd.f32 v24, v19;
	v18 =	vadd.f32 v29, v18;
	v13 =	vld [tilespmem:s19+$0xFFFFFFE0]  }
0xb5: {  	v24 =	vld [tilespmem:s19+$0xFFFFFFF0]  }
0xb6: {  	v29 =	vld [tilespmem:s19+$0x0]  }
0xb7: {  	v23 =	vld [tilespmem:s19+$0xFFFFFF10]  }
0xb8: {  	v27 =	vld [tilespmem:s19+$0xFFFFFF20]  }
0xb9: {  	v28 =	vld [tilespmem:s19+$0xFFFFFF30]  }
0xba: {  	v30 =	vld [tilespmem:s19+$0xFFFFFF40]  }
0xbb: {  	v32 =	vld [tilespmem:s19+$0xFFFFFF50]  }
0xbc: {  	v33 =	vld [tilespmem:s19+$0xFFFFFF60]  }
0xbd: {  	v34 =	vld [tilespmem:s19+$0xFFFFFF70]  }
0xbe: {  	v35 =	vld [tilespmem:s19+$0xFFFFFF80]  }
0xbf: {  	v36 =	vld [tilespmem:s19+$0xFFFFFE90]  }
0xc0: {  	v37 =	vld [tilespmem:s19+$0xFFFFFEA0]  }
0xc1: {  	v38 =	vld [tilespmem:s19+$0xFFFFFEB0]  }
0xc2: {  	v39 =	vld [tilespmem:s19+$0xFFFFFEC0]  }
0xc3: {  	v40 =	vld [tilespmem:s19+$0xFFFFFED0]  }
0xc4: {  	v41 =	vld [tilespmem:s19+$0xFFFFFEE0]  }
0xc5: {  	v42 =	vld [tilespmem:s19+$0xFFFFFEF0]  }
0xc6: {  	v43 =	vld [tilespmem:s19+$0xFFFFFF00]  }
0xc7: {  	v31 =	vld.idx.msk [tilespmem:v31+s1+$0x0], $0xffff  }
0xc8: {  	v44 =	vld.idx.msk [tilespmem:v25+s1+$0x0], $0xffff  }
0xc9: {  	v45 =	vld.idx.msk [tilespmem:v26+s1+$0x0], $0xffff  }
0xca: {  	v46 =	vld.idx.msk [tilespmem:v22+s1+$0x0], $0xffff  }
0xcb: {  	v14 =	vld.idx.msk [tilespmem:v21+s1+$0x0], $0xffff  }
0xcc: {  	v13 =	vld.idx.msk [tilespmem:v13+s1+$0x0], $0xffff  }
0xcd: {  	v21 =	vld.idx.msk [tilespmem:v23+s1+$0x0], $0xffff  }
0xce: {  	v27 =	vld.idx.msk [tilespmem:v27+s1+$0x0], $0xffff  }
0xcf: {  	v47 =	vld.idx.msk [tilespmem:v28+s1+$0x0], $0xffff  }
0xd0: {  	v48 =	vld.idx.msk [tilespmem:v30+s1+$0x0], $0xffff  }
0xd1: {  	v28 =	vld.idx.msk [tilespmem:v36+s1+$0x0], $0xffff  }
0xd2: {  	s18 =	sadd.s32 $0x18, s18;
	v30 =	vld.idx.msk [tilespmem:v37+s1+$0x0], $0xffff  }
0xd3: {  	p1 =	slt.u32 s18, $0x120;
	v36 =	vld.idx.msk [tilespmem:v38+s1+$0x0], $0xffff  }
0xd4: {  	v37 =	vld.idx.msk [tilespmem:v39+s1+$0x0], $0xffff  }
0xd5: {  	v22 =	vld.idx.msk [tilespmem:v32+s1+$0x0], $0xffff  }
0xd6: {  	v23 =	vld.idx.msk [tilespmem:v33+s1+$0x0], $0xffff  }
0xd7: {  	v25 =	vld.idx.msk [tilespmem:v40+s1+$0x0], $0xffff  }
0xd8: {  	v26 =	vld.idx.msk [tilespmem:v41+s1+$0x0], $0xffff  }
0xd9: {  	v16 =	vadd.f32 v28, v16;
	v17 =	vadd.f32 v30, v17;
	v28 =	vld.idx.msk [tilespmem:v42+s1+$0x0], $0xffff  }
.Ltmp1:
0xda: {  	v15 =	vadd.f32 v36, v15;
	v12 =	vadd.f32 v37, v12;
	v30 =	vld.idx.msk [tilespmem:v43+s1+$0x0], $0xffff;
	(pc) =	sbr.rel @p1 .LBB2_4-.Ltmp1, $4  }
0xdb: {  	v16 =	vadd.f32 v21, v16;
	v17 =	vadd.f32 v27, v17;
	v21 =	vld.idx.msk [tilespmem:v34+s1+$0x0], $0xffff  }
0xdc: {  	v15 =	vadd.f32 v47, v15;
	v12 =	vadd.f32 v48, v12;
	v27 =	vld.idx.msk [tilespmem:v35+s1+$0x0], $0xffff  }
0xdd: {  	v16 =	vadd.f32 v31, v16;
	v17 =	vadd.f32 v44, v17;
	v24 =	vld.idx.msk [tilespmem:v24+s1+$0x0], $0xffff  }
0xde: {  	s19 =	sadd.s32 $0x180, s19;
	v15 =	vadd.f32 v45, v15;
	v12 =	vadd.f32 v46, v12;
	v29 =	vld.idx.msk [tilespmem:v29+s1+$0x0], $0xffff  }
0xdf: {  	v11 =	vadd.f32 v25, v11  }
0xe0: {  	v20 =	vadd.f32 v26, v20;
	v4 =	vadd.f32 v5, v4  }
0xe1: {  	v54 =	vadd.f32 v28, v19;
	v16 =	vadd.f32 v17, v16  }
0xe2: {  	v55 =	vadd.f32 v30, v18;
	v3 =	vadd.f32 v3, v4  }
0xe3: {  	v56 =	vadd.f32 v22, v11;
	v57 =	vadd.f32 v15, v16  }
0xe4: {  	v58 =	vadd.f32 v23, v20;
	v2 =	vadd.f32 v2, v3  }
0xe5: {  	v3 =	vadd.f32 v14, v56;
	v59 =	vadd.f32 v12, v57  }
0xe6: {  	v5 =	vadd.f32 v21, v54;
	v2 =	vadd.f32 v10, v2  }
0xe7: {  	v60 =	vadd.f32 v13, v58;
	v3 =	vadd.f32 v3, v59  }
0xe8: {  	v61 =	vadd.f32 v27, v55;
	v2 =	vadd.f32 v9, v2  }
0xe9: {  	v5 =	vadd.f32 v24, v5;
	v3 =	vadd.f32 v60, v3  }
0xea: {  	v2 =	vadd.f32 v8, v2  }
0xeb: {  	v4 =	vadd.f32 v29, v61;
	v3 =	vadd.f32 v5, v3  }
0xec: {  	v2 =	vadd.f32 v7, v2  }
0xed: {  	v62 =	vnsel vm0, $0x0, v6;
	v3 =	vadd.f32 v4, v3  }
0xee: {  	v63 =	vsel vm0, $0x0, v6;
	v2 =	vadd.f32 v62, v2  }
0xef: {  	v3 =	vadd.f32 v3, v63  }
0xf0: {  	(xrf2) =	vadd.scan.msk.f32 $0xffff, v2  }
0xf1: {  	(xrf2) =	vadd.scan.msk.f32 $0xffff, v3;
	_ =	sdelay $0x8  }
0xf2: {  	v2, _, _ =	vpop (xrf2)  }
0xf3: {  	v3, _, _ =	vpop (xrf2)  }
0xf4: {  	v3 =	vbroadcast v3, $0xF  }
0xf5: {  	v2 =	vbroadcast v2, $0xF  }
0xf6: {  	v3 =	vnsel vm1, $0x0, v3  }
0xf7: {  	v2 =	vsel vm2, v3, v2  }
0xf8: {  	[tilespmem:$0x4F80] =	vst v2  }
0xf9: {  	[spmem:s5] =	stream.linear.scatter [tilespmem:s14], [sflag:$0x4], $0x10, $0x38;
	[tilespmem:$0x51A0] =	vst v63  }
0xfa: {  	_ =	swait.ge [sflag:s15], $0x10  }
0xfb: {  	[sflag:s15] =	ssyncset.done $0x0  }
0xfc: {  	[sflag:s15] =	ssyncadd.s32 $0xFFFFFFF0  }
0xfd: {  	[bflag:$0x0] =	sbarrier.arrive $0xFFFF  }
0xfe: {  	[tilespmem:s16], [sflag:$0x4] =	stream.linear.gather [spmem:s6], $0x100, $0x38;
	[tilespmem:$0x51A0] =	vst v63  }
0xff: {  	_ =	swait.ge [sflag:s15], $0x100  }
0x100: {  	[sflag:s15] =	ssyncset.done $0x0  }
0x101: {  	[sflag:s15] =	ssyncadd.s32 $0xFFFFFF00  }
0x102: {  	v2 =	vld.idx.msk [tilespmem:v0+s16+$0x0], $0xffff;
	_ =	sdelay $0x4  }
0x103: {  	[tilespmem:$0x5120] =	vst v2  }
0x104: {  	v2 =	vld.idx.msk [tilespmem:v1+s16+$0x0], $0xffff;
	_ =	sdelay $0x3  }
0x105: {  	s17 =	sadd.s32 $0x1, s17  }
0x106: {  	s18 =	simm.s32 @!p0 $0x0;
	s19 =	simm.s32 @!p0 $0x5120;
	p1 =	sne.s32 s17, s8;
	[tilespmem:$0x5130] =	vst v2  }
0x107: {  	[hbm4b:s7+s18] =	stream.linear.scatter @!p0 [tilespmem:s19], [sflag:$0x4], $0x20, $0x38;
	[tilespmem:$0x51A0] =	vst v63  }
.Ltmp2:
0x108: {  	_ = 	snop;
	(pc) =	sbr.rel @p1 .LBB2_1-.Ltmp2, $4  }
0x109: {  	s18 =	simm.s32 @!p0 $0x4  }
0x10a: {  	_ =	swait.ge @!p0 [sflag:s18], $0x20  }
0x10b: {  	[sflag:s18] =	ssyncset.done @!p0 $0x0  }
0x10c: {  	[sflag:s18] =	ssyncadd.s32 @!p0 $0xFFFFFFE0  }
0x10d: {  	_ =	sfence.sel $0x180000  }
0x10e: {  	[bflag:$0x0] =	sbarrier.arrive $0xFFFF  }
0x10f: {  	_ =	strace $0x90000047  }
0x110: {  	s0 =	sadd.s32 @!p0 $0x100000, s0;
	[bflag:$0x2] =	sbarrier.arrive $0xFFFF  }
0x111: {  	[sflag:s0] =	ssyncadd.tile.s32 @!p0 $0x1;
	_ =	shalt  }
.Lfunc_end2:
_tile_overlayer_lowered:
.L_overlay_start_2:
0x112: {  	(tag) =	ssettag $0x2  }
0x113: {  	s0 =	rddreg [dreg:$0x0];
	s2 =	stileid.u32  }
0x114: {  	s1 =	rddreg [dreg:$0x1];
	p0 =	sne.s32 s2, $0x0  }
0x115: {  	s3 =	rddreg [dreg:$0x2];
	[bflag:$0x3] =	sbarrier.arrive $0xFFFF;
	s2 =	simm.s32 @!p0 $0x1C04  }
0x116: {  	[timem:s3], [sflag:s2] =	dma.local @!p0 [hbm:s0], s1  }
0x117: {  	s0 =	simm.s32 @!p0 $0x4  }
0x118: {  	_ =	swait.ge @!p0 [sflag:s0], s1  }
0x119: {  	s1 =	ssub.s32 @!p0 $0x0, s1;
	[sflag:s0] =	ssyncset.done @!p0 $0x0  }
0x11a: {  	[sflag:s0] =	ssyncadd.s32 @!p0 s1  }
0x11b: {  	[bflag:$0x3] =	sbarrier.arrive $0xFFFF  }
0x11c: {  	_ =	shalt  }

</sc_bundles>
